<compile_context>
chip_gen: v7x
topology: tpu7x:2x2x1
jax: 0.10.2.dev20260603
libtpu: 0.0.44.dev20260713+nightly
codegen_flags: <defaults>
</compile_context>

<pallas_src>
import functools

import jax
import jax.numpy as jnp
from jax import lax
from jax.experimental import pallas as pl
from jax.experimental.pallas import tpu as pltpu
from jax.experimental.pallas import tpu_sc as plsc

_N = 10000
_D = 128
_NPAD = 10240
_CHUNK = 128
_NC = 2
_NS = 16
_NW = _NC * _NS


def _segment_sum_sc(h, src_pad, dst_pad, zeros, cpw):
    mesh = plsc.VectorSubcoreMesh(core_axis_name="c", subcore_axis_name="s")

    @functools.partial(
        pl.kernel,
        out_type=jax.ShapeDtypeStruct((_NC, _NPAD, _D), jnp.float32),
        mesh=mesh,
        scratch_types=[
            pltpu.VMEM((_CHUNK,), jnp.int32),
            pltpu.VMEM((_CHUNK,), jnp.int32),
            pltpu.VMEM((_CHUNK,), jnp.int32),
            pltpu.VMEM((_CHUNK,), jnp.int32),
            pltpu.VMEM((_CHUNK, _D), jnp.float32),
            pltpu.VMEM((_CHUNK, _D), jnp.float32),
            pltpu.VMEM_SHARED((_NPAD, _D), jnp.float32),
            pltpu.SemaphoreType.DMA,
            pltpu.SemaphoreType.DMA,
        ],
    )
    def seg_kernel(h_hbm, src_hbm, dst_hbm, z_hbm, out_hbm,
                   sidx0, sidx1, didx0, didx1, rows0, rows1, acc, sem0, sem1):
        cid = lax.axis_index("c")
        sid = lax.axis_index("s")
        wid = cid * _NS + sid
        base = wid * cpw * _CHUNK
        sidx = (sidx0, sidx1)
        didx = (didx0, didx1)
        rows = (rows0, rows1)
        sems = (sem0, sem1)

        stripe = _NPAD // _NS
        pltpu.sync_copy(z_hbm.at[pl.ds(sid * stripe, stripe)],
                        acc.at[pl.ds(sid * stripe, stripe)])
        plsc.subcore_barrier()

        def load_idx_and_gather(cc, b):
            off = base + cc * _CHUNK
            pltpu.sync_copy(src_hbm.at[pl.ds(off, _CHUNK)], sidx[b])
            pltpu.sync_copy(dst_hbm.at[pl.ds(off, _CHUNK)], didx[b])
            pltpu.make_async_copy(h_hbm.at[sidx[b]], rows[b], sems[b]).start()

        def wait_gather(b):
            pltpu.make_async_copy(h_hbm.at[sidx[b]], rows[b], sems[b]).wait()

        load_idx_and_gather(0, 0)
        load_idx_and_gather(1, 1)

        def body(i, carry):
            for b in range(2):
                cc = i * 2 + b
                wait_gather(b)
                pltpu.sync_copy(rows[b], acc.at[didx[b]], add=True)

                @pl.when(cc + 2 < cpw)
                def _():
                    load_idx_and_gather(cc + 2, b)
            return carry

        lax.fori_loop(0, cpw // 2, body, 0)
        plsc.subcore_barrier()

        pltpu.sync_copy(acc.at[pl.ds(sid * stripe, stripe)],
                        out_hbm.at[cid].at[pl.ds(sid * stripe, stripe)])

    return seg_kernel(h, src_pad, dst_pad, zeros)


_CPW = 80

_BN = 1000


def _mlp_tc(h, agg, Wa, ba, Wb, bb):

    def body(h_ref, a0_ref, a1_ref, wa_ref, ba_ref, wb_ref, bb_ref, o_ref):
        z = h_ref[...] + a0_ref[...] + a1_ref[...]
        z = jnp.dot(z, wa_ref[...], preferred_element_type=jnp.float32)
        z = jnp.maximum(z + ba_ref[...], 0.0)
        z = jnp.dot(z, wb_ref[...], preferred_element_type=jnp.float32)
        o_ref[...] = jnp.maximum(z + bb_ref[...], 0.0)

    row_spec = pl.BlockSpec((_BN, _D), lambda i: (i, 0))
    w_spec = pl.BlockSpec((_D, _D), lambda i: (0, 0))
    b_spec = pl.BlockSpec((1, _D), lambda i: (0, 0))
    return pl.pallas_call(
        body,
        grid=(_N // _BN,),
        in_specs=[row_spec, row_spec, row_spec, w_spec, b_spec, w_spec, b_spec],
        out_specs=row_spec,
        out_shape=jax.ShapeDtypeStruct((_N, _D), jnp.float32),
    )(h, agg[0], agg[1], Wa, ba.reshape(1, _D), Wb, bb.reshape(1, _D))


def kernel(x, edge_index, W1a, b1a, W1b, b1b, W2a, b2a, W2b, b2b):
    src = edge_index[0].astype(jnp.int32)
    dst = edge_index[1].astype(jnp.int32)
    e = src.shape[0]
    total_chunks = _NW * _CPW
    e_pad = total_chunks * _CHUNK
    assert e_pad >= e
    if e_pad != e:
        pad = e_pad - e
        src = jnp.concatenate([src, jnp.zeros((pad,), jnp.int32)])
        dst = jnp.concatenate([dst, jnp.full((pad,), _N, jnp.int32)])
    zeros = jnp.zeros((_NPAD, _D), jnp.float32)

    agg1 = _segment_sum_sc(x, src, dst, zeros, _CPW)
    h1 = _mlp_tc(x, agg1, W1a, b1a, W1b, b1b)
    agg2 = _segment_sum_sc(h1, src, dst, zeros, _CPW)
    h2 = _mlp_tc(h1, agg2, W2a, b2a, W2b, b2b)
    return h2

# --- scband reference (transcript-rebuilt; emitter-appended) ---
"""Pipeline reference for scband-level1-gnnencoder-19292993094408 (READ-ONLY COPY).

The authoritative reference and input builder live on the scoring server;
editing this copy changes nothing except your own understanding.
"""

import jax, jax.numpy as jnp
import numpy as np

N = 10000
E = 320000
D = 128
H = 128


def setup_inputs(seed: int = 0) -> dict:
    key = jax.random.key(seed)
    ks = jax.random.split(key, 12)
    x = jax.random.normal(ks[0], (N, D), dtype=jnp.float32)
    edge_index = jax.random.randint(ks[1], (2, E), 0, N, dtype=jnp.int64)
    s1 = 1.0 / np.sqrt(D)
    s2 = 1.0 / np.sqrt(H)
    W1a = jax.random.normal(ks[2], (D, H), dtype=jnp.float32) * s1
    b1a = jnp.zeros((H,), dtype=jnp.float32)
    W1b = jax.random.normal(ks[3], (H, H), dtype=jnp.float32) * s2
    b1b = jnp.zeros((H,), dtype=jnp.float32)
    W2a = jax.random.normal(ks[4], (H, H), dtype=jnp.float32) * s2
    b2a = jnp.zeros((H,), dtype=jnp.float32)
    W2b = jax.random.normal(ks[5], (H, H), dtype=jnp.float32) * s2
    b2b = jnp.zeros((H,), dtype=jnp.float32)
    return {"x": x, "edge_index": edge_index,
            "W1a": W1a, "b1a": b1a, "W1b": W1b, "b1b": b1b,
            "W2a": W2a, "b2a": b2a, "W2b": W2b, "b2b": b2b}


def _gin_layer(h, src, dst, Wa, ba, Wb, bb):
    # GINConv with eps=0: MLP((1+eps)*x + sum_{j in N(i)} x_j)
    msgs = jnp.take(h, src, axis=0)
    agg = jax.ops.segment_sum(msgs, dst, num_segments=N)
    z = h + agg
    z = jnp.maximum(jnp.dot(z, Wa) + ba, 0.0)
    z = jnp.dot(z, Wb) + bb
    # F.relu after conv; dropout is identity in eval mode
    return jnp.maximum(z, 0.0)


def reference(x, edge_index, W1a, b1a, W1b, b1b, W2a, b2a, W2b, b2b):
    src = edge_index[0]
    dst = edge_index[1]
    h = _gin_layer(x, src, dst, W1a, b1a, W1b, b1b)
    h = _gin_layer(h, src, dst, W2a, b2a, W2b, b2b)
    return h

if __name__ == "__main__":
    import jax
    _d = setup_inputs()
    print(jax.jit(kernel)(*tuple(_d.values())))

</pallas_src>

<mosaic_0001>
#map = affine_map<(d0, d1) -> (0, 0)>
#map1 = affine_map<(d0, d1) -> (0)>
#map2 = affine_map<(d0, d1) -> (0, 0, 0)>
module attributes {stable_mosaic.version = 14 : i64} {
  func.func @seg_kernel(%arg0: i32, %arg1: i32, %arg2: memref<10000x128xf32, #tpu.memory_space<hbm>>, %arg3: memref<327680xi32, #tpu.memory_space<hbm>>, %arg4: memref<327680xi32, #tpu.memory_space<hbm>>, %arg5: memref<10240x128xf32, #tpu.memory_space<hbm>>, %arg6: memref<2x10240x128xf32, #tpu.memory_space<hbm>>, %arg7: memref<128xi32, #tpu.memory_space<vmem>>, %arg8: memref<128xi32, #tpu.memory_space<vmem>>, %arg9: memref<128xi32, #tpu.memory_space<vmem>>, %arg10: memref<128xi32, #tpu.memory_space<vmem>>, %arg11: memref<128x128xf32, #tpu.memory_space<vmem>>, %arg12: memref<128x128xf32, #tpu.memory_space<vmem>>, %arg13: memref<10240x128xf32, #tpu.memory_space<vmem_shared>>, %arg14: memref<!tpu.dma_semaphore, #tpu.memory_space<semaphore_mem>>, %arg15: memref<!tpu.dma_semaphore, #tpu.memory_space<semaphore_mem>>) attributes {dimension_semantics = [#tpu.dimension_semantics<core_parallel>, #tpu.dimension_semantics<subcore_parallel>], iteration_bounds = array<i64: 2, 16>, scalar_prefetch = 0 : i64, scratch_operands = 9 : i64, tpu.core_type = #tpu.core_type<sc_vector_subcore>, window_params = [{transform_indices = #map}, {transform_indices = #map1}, {transform_indices = #map1}, {transform_indices = #map}, {transform_indices = #map2}]} {
    %mul3A = arith.constant 16 : i32
    %mul3A_0 = arith.muli %arg0, %mul3A : i32
    %add3A = arith.addi %mul3A_0, %arg1 : i32
    %mul3A_1 = arith.constant 80 : i32
    %mul3A_2 = arith.muli %add3A, %mul3A_1 : i32
    %mul3A_3 = arith.constant 128 : i32
    %mul3A_4 = arith.muli %mul3A_2, %mul3A_3 : i32
    %mul3A_5 = arith.constant 640 : i32
    %mul3A_6 = arith.muli %arg1, %mul3A_5 : i32
    %mul3A_7 = arith.constant 640 : i32
    %mul3A_8 = arith.muli %arg1, %mul3A_7 : i32
    "tpu.region"() ({
      %run_scoped3A = tpu.sem_alloc : memref<!tpu.dma_semaphore, #tpu.memory_space<semaphore_mem>>
      %dma_start3A_28 = arith.constant 0 : i32
      %dma_start3A_29 = tpu.memref_slice %arg13[%mul3A_8, %dma_start3A_28] : memref<10240x128xf32, #tpu.memory_space<vmem_shared>> -> memref<640x128xf32, #tpu.memory_space<vmem_shared>>
      %dma_start3A_30 = arith.constant 0 : i32
      %dma_start3A_31 = tpu.memref_slice %arg5[%mul3A_6, %dma_start3A_30] : memref<10240x128xf32, #tpu.memory_space<hbm>> -> memref<640x128xf32, #tpu.memory_space<hbm>>
      tpu.enqueue_dma source(%dma_start3A_31 : memref<640x128xf32, #tpu.memory_space<hbm>>) target(%dma_start3A_29 : memref<640x128xf32, #tpu.memory_space<vmem_shared>>) target_semaphore(%run_scoped3A : memref<!tpu.dma_semaphore, #tpu.memory_space<semaphore_mem>>)
      %dma_wait3A = arith.constant 0 : i32
      %dma_wait3A_32 = tpu.memref_slice %arg13[%mul3A_8, %dma_wait3A] : memref<10240x128xf32, #tpu.memory_space<vmem_shared>> -> memref<640x128xf32, #tpu.memory_space<vmem_shared>>
      %dma_wait3A_33 = arith.constant 0 : i32
      %dma_wait3A_34 = tpu.memref_slice %arg5[%mul3A_6, %dma_wait3A_33] : memref<10240x128xf32, #tpu.memory_space<hbm>> -> memref<640x128xf32, #tpu.memory_space<hbm>>
      tpu.wait_dma2 semaphore(%run_scoped3A : memref<!tpu.dma_semaphore, #tpu.memory_space<semaphore_mem>>) src(%dma_wait3A_34 : memref<640x128xf32, #tpu.memory_space<hbm>>) dst(%dma_wait3A_32 : memref<640x128xf32, #tpu.memory_space<vmem_shared>>)
      tpu.yield
    }) : () -> ()
    %barrier3A = arith.constant 0 : index
    tpu.barrier barrier_id(%barrier3A)
    %add3A_9 = arith.constant 0 : i32
    %add3A_10 = arith.addi %mul3A_4, %add3A_9 : i32
    "tpu.region"() ({
      %run_scoped3A = tpu.sem_alloc : memref<!tpu.dma_semaphore, #tpu.memory_space<semaphore_mem>>
      %dma_start3A_28 = tpu.memref_slice %arg3[%add3A_10] : memref<327680xi32, #tpu.memory_space<hbm>> -> memref<128xi32, #tpu.memory_space<hbm>>
      %dma_start3A_29 = tpu.memref_slice %arg3[%add3A_10] : memref<327680xi32, #tpu.memory_space<hbm>> -> memref<128xi32, #tpu.memory_space<hbm>>
      tpu.enqueue_dma source(%dma_start3A_29 : memref<128xi32, #tpu.memory_space<hbm>>) target(%arg7 : memref<128xi32, #tpu.memory_space<vmem>>) target_semaphore(%run_scoped3A : memref<!tpu.dma_semaphore, #tpu.memory_space<semaphore_mem>>)
      %dma_wait3A = tpu.memref_slice %arg3[%add3A_10] : memref<327680xi32, #tpu.memory_space<hbm>> -> memref<128xi32, #tpu.memory_space<hbm>>
      %dma_wait3A_30 = tpu.memref_slice %arg3[%add3A_10] : memref<327680xi32, #tpu.memory_space<hbm>> -> memref<128xi32, #tpu.memory_space<hbm>>
      tpu.wait_dma2 semaphore(%run_scoped3A : memref<!tpu.dma_semaphore, #tpu.memory_space<semaphore_mem>>) src(%dma_wait3A_30 : memref<128xi32, #tpu.memory_space<hbm>>) dst(%arg7 : memref<128xi32, #tpu.memory_space<vmem>>)
      tpu.yield
    }) : () -> ()
    "tpu.region"() ({
      %run_scoped3A = tpu.sem_alloc : memref<!tpu.dma_semaphore, #tpu.memory_space<semaphore_mem>>
      %dma_start3A_28 = tpu.memref_slice %arg4[%add3A_10] : memref<327680xi32, #tpu.memory_space<hbm>> -> memref<128xi32, #tpu.memory_space<hbm>>
      %dma_start3A_29 = tpu.memref_slice %arg4[%add3A_10] : memref<327680xi32, #tpu.memory_space<hbm>> -> memref<128xi32, #tpu.memory_space<hbm>>
      tpu.enqueue_dma source(%dma_start3A_29 : memref<128xi32, #tpu.memory_space<hbm>>) target(%arg9 : memref<128xi32, #tpu.memory_space<vmem>>) target_semaphore(%run_scoped3A : memref<!tpu.dma_semaphore, #tpu.memory_space<semaphore_mem>>)
      %dma_wait3A = tpu.memref_slice %arg4[%add3A_10] : memref<327680xi32, #tpu.memory_space<hbm>> -> memref<128xi32, #tpu.memory_space<hbm>>
      %dma_wait3A_30 = tpu.memref_slice %arg4[%add3A_10] : memref<327680xi32, #tpu.memory_space<hbm>> -> memref<128xi32, #tpu.memory_space<hbm>>
      tpu.wait_dma2 semaphore(%run_scoped3A : memref<!tpu.dma_semaphore, #tpu.memory_space<semaphore_mem>>) src(%dma_wait3A_30 : memref<128xi32, #tpu.memory_space<hbm>>) dst(%arg9 : memref<128xi32, #tpu.memory_space<vmem>>)
      tpu.yield
    }) : () -> ()
    %dma_start3A = arith.constant 0 : i32
    %dma_start3A_11 = arith.constant 0 : i32
    %dma_start3A_12 = tpu.memref_slice %arg2[%dma_start3A, %dma_start3A_11] : memref<10000x128xf32, #tpu.memory_space<hbm>> -> memref<10000x128xf32, #tpu.memory_space<hbm>>
    tpu.enqueue_indirect_dma source(%dma_start3A_12 : memref<10000x128xf32, #tpu.memory_space<hbm>>) target(%arg11 : memref<128x128xf32, #tpu.memory_space<vmem>>) offsets(%arg7 : memref<128xi32, #tpu.memory_space<vmem>>) semaphore(%arg14 : memref<!tpu.dma_semaphore, #tpu.memory_space<semaphore_mem>>)
    %add3A_13 = arith.constant 128 : i32
    %add3A_14 = arith.addi %mul3A_4, %add3A_13 : i32
    "tpu.region"() ({
      %run_scoped3A = tpu.sem_alloc : memref<!tpu.dma_semaphore, #tpu.memory_space<semaphore_mem>>
      %dma_start3A_28 = tpu.memref_slice %arg3[%add3A_14] : memref<327680xi32, #tpu.memory_space<hbm>> -> memref<128xi32, #tpu.memory_space<hbm>>
      %dma_start3A_29 = tpu.memref_slice %arg3[%add3A_14] : memref<327680xi32, #tpu.memory_space<hbm>> -> memref<128xi32, #tpu.memory_space<hbm>>
      tpu.enqueue_dma source(%dma_start3A_29 : memref<128xi32, #tpu.memory_space<hbm>>) target(%arg8 : memref<128xi32, #tpu.memory_space<vmem>>) target_semaphore(%run_scoped3A : memref<!tpu.dma_semaphore, #tpu.memory_space<semaphore_mem>>)
      %dma_wait3A = tpu.memref_slice %arg3[%add3A_14] : memref<327680xi32, #tpu.memory_space<hbm>> -> memref<128xi32, #tpu.memory_space<hbm>>
      %dma_wait3A_30 = tpu.memref_slice %arg3[%add3A_14] : memref<327680xi32, #tpu.memory_space<hbm>> -> memref<128xi32, #tpu.memory_space<hbm>>
      tpu.wait_dma2 semaphore(%run_scoped3A : memref<!tpu.dma_semaphore, #tpu.memory_space<semaphore_mem>>) src(%dma_wait3A_30 : memref<128xi32, #tpu.memory_space<hbm>>) dst(%arg8 : memref<128xi32, #tpu.memory_space<vmem>>)
      tpu.yield
    }) : () -> ()
    "tpu.region"() ({
      %run_scoped3A = tpu.sem_alloc : memref<!tpu.dma_semaphore, #tpu.memory_space<semaphore_mem>>
      %dma_start3A_28 = tpu.memref_slice %arg4[%add3A_14] : memref<327680xi32, #tpu.memory_space<hbm>> -> memref<128xi32, #tpu.memory_space<hbm>>
      %dma_start3A_29 = tpu.memref_slice %arg4[%add3A_14] : memref<327680xi32, #tpu.memory_space<hbm>> -> memref<128xi32, #tpu.memory_space<hbm>>
      tpu.enqueue_dma source(%dma_start3A_29 : memref<128xi32, #tpu.memory_space<hbm>>) target(%arg10 : memref<128xi32, #tpu.memory_space<vmem>>) target_semaphore(%run_scoped3A : memref<!tpu.dma_semaphore, #tpu.memory_space<semaphore_mem>>)
      %dma_wait3A = tpu.memref_slice %arg4[%add3A_14] : memref<327680xi32, #tpu.memory_space<hbm>> -> memref<128xi32, #tpu.memory_space<hbm>>
      %dma_wait3A_30 = tpu.memref_slice %arg4[%add3A_14] : memref<327680xi32, #tpu.memory_space<hbm>> -> memref<128xi32, #tpu.memory_space<hbm>>
      tpu.wait_dma2 semaphore(%run_scoped3A : memref<!tpu.dma_semaphore, #tpu.memory_space<semaphore_mem>>) src(%dma_wait3A_30 : memref<128xi32, #tpu.memory_space<hbm>>) dst(%arg10 : memref<128xi32, #tpu.memory_space<vmem>>)
      tpu.yield
    }) : () -> ()
    %dma_start3A_15 = arith.constant 0 : i32
    %dma_start3A_16 = arith.constant 0 : i32
    %dma_start3A_17 = tpu.memref_slice %arg2[%dma_start3A_15, %dma_start3A_16] : memref<10000x128xf32, #tpu.memory_space<hbm>> -> memref<10000x128xf32, #tpu.memory_space<hbm>>
    tpu.enqueue_indirect_dma source(%dma_start3A_17 : memref<10000x128xf32, #tpu.memory_space<hbm>>) target(%arg12 : memref<128x128xf32, #tpu.memory_space<vmem>>) offsets(%arg8 : memref<128xi32, #tpu.memory_space<vmem>>) semaphore(%arg15 : memref<!tpu.dma_semaphore, #tpu.memory_space<semaphore_mem>>)
    %scan3A = arith.constant 0 : i32
    %scan3A_18 = arith.constant 0 : i32
    %scan3A_19 = arith.constant 40 : i32
    %scan3A_20 = arith.addi %scan3A_18, %scan3A_19 : i32
    %scan3A_21 = arith.constant 1 : i32
    scf.for %scan3A_28 = %scan3A_18 to %scan3A_20 step %scan3A_21  : i32 {
      %mul3A_29 = arith.constant 2 : i32
      %mul3A_30 = arith.muli %scan3A_28, %mul3A_29 : i32
      %add3A_31 = arith.constant 0 : i32
      %add3A_32 = arith.addi %mul3A_30, %add3A_31 : i32
      %dma_wait3A = arith.constant 0 : i32
      %dma_wait3A_33 = arith.constant 0 : i32
      %dma_wait3A_34 = tpu.memref_slice %arg2[%dma_wait3A, %dma_wait3A_33] : memref<10000x128xf32, #tpu.memory_space<hbm>> -> memref<10000x128xf32, #tpu.memory_space<hbm>>
      tpu.wait_indirect_dma semaphore(%arg14 : memref<!tpu.dma_semaphore, #tpu.memory_space<semaphore_mem>>) src(%dma_wait3A_34 : memref<10000x128xf32, #tpu.memory_space<hbm>>) dst(%arg11 : memref<128x128xf32, #tpu.memory_space<vmem>>)
      "tpu.region"() ({
        %run_scoped3A = tpu.sem_alloc : memref<!tpu.dma_semaphore, #tpu.memory_space<semaphore_mem>>
        %dma_start3A_53 = arith.constant 0 : i32
        %dma_start3A_54 = arith.constant 0 : i32
        %dma_start3A_55 = tpu.memref_slice %arg13[%dma_start3A_53, %dma_start3A_54] : memref<10240x128xf32, #tpu.memory_space<vmem_shared>> -> memref<10240x128xf32, #tpu.memory_space<vmem_shared>>
        tpu.enqueue_indirect_dma source(%arg11 : memref<128x128xf32, #tpu.memory_space<vmem>>) target(%dma_start3A_55 : memref<10240x128xf32, #tpu.memory_space<vmem_shared>>) offsets(%arg9 : memref<128xi32, #tpu.memory_space<vmem>>) semaphore(%run_scoped3A : memref<!tpu.dma_semaphore, #tpu.memory_space<semaphore_mem>>) {add = true}
        %dma_wait3A_56 = arith.constant 0 : i32
        %dma_wait3A_57 = arith.constant 0 : i32
        %dma_wait3A_58 = tpu.memref_slice %arg13[%dma_wait3A_56, %dma_wait3A_57] : memref<10240x128xf32, #tpu.memory_space<vmem_shared>> -> memref<10240x128xf32, #tpu.memory_space<vmem_shared>>
        tpu.wait_indirect_dma semaphore(%run_scoped3A : memref<!tpu.dma_semaphore, #tpu.memory_space<semaphore_mem>>) src(%arg11 : memref<128x128xf32, #tpu.memory_space<vmem>>) dst(%dma_wait3A_58 : memref<10240x128xf32, #tpu.memory_space<vmem_shared>>)
        tpu.yield
      }) : () -> ()
      %add3A_35 = arith.constant 2 : i32
      %add3A_36 = arith.addi %add3A_32, %add3A_35 : i32
      %lt3A = arith.constant 80 : i32
      %lt3A_37 = arith.cmpi slt, %add3A_36, %lt3A : i32
      %convert_element_type3A = arith.extui %lt3A_37 : i1 to i32
      %cond3A = arith.constant 0 : i32
      %cond3A_38 = arith.cmpi ne, %convert_element_type3A, %cond3A : i32
      scf.if %cond3A_38 {
        %add3A_53 = arith.constant 2 : i32
        %add3A_54 = arith.addi %add3A_32, %add3A_53 : i32
        %mul3A_55 = arith.constant 128 : i32
        %mul3A_56 = arith.muli %add3A_54, %mul3A_55 : i32
        %add3A_57 = arith.addi %mul3A_4, %mul3A_56 : i32
        "tpu.region"() ({
          %run_scoped3A = tpu.sem_alloc : memref<!tpu.dma_semaphore, #tpu.memory_space<semaphore_mem>>
          %dma_start3A_61 = tpu.memref_slice %arg3[%add3A_57] : memref<327680xi32, #tpu.memory_space<hbm>> -> memref<128xi32, #tpu.memory_space<hbm>>
          %dma_start3A_62 = tpu.memref_slice %arg3[%add3A_57] : memref<327680xi32, #tpu.memory_space<hbm>> -> memref<128xi32, #tpu.memory_space<hbm>>
          tpu.enqueue_dma source(%dma_start3A_62 : memref<128xi32, #tpu.memory_space<hbm>>) target(%arg7 : memref<128xi32, #tpu.memory_space<vmem>>) target_semaphore(%run_scoped3A : memref<!tpu.dma_semaphore, #tpu.memory_space<semaphore_mem>>)
          %dma_wait3A_63 = tpu.memref_slice %arg3[%add3A_57] : memref<327680xi32, #tpu.memory_space<hbm>> -> memref<128xi32, #tpu.memory_space<hbm>>
          %dma_wait3A_64 = tpu.memref_slice %arg3[%add3A_57] : memref<327680xi32, #tpu.memory_space<hbm>> -> memref<128xi32, #tpu.memory_space<hbm>>
          tpu.wait_dma2 semaphore(%run_scoped3A : memref<!tpu.dma_semaphore, #tpu.memory_space<semaphore_mem>>) src(%dma_wait3A_64 : memref<128xi32, #tpu.memory_space<hbm>>) dst(%arg7 : memref<128xi32, #tpu.memory_space<vmem>>)
          tpu.yield
        }) : () -> ()
        "tpu.region"() ({
          %run_scoped3A = tpu.sem_alloc : memref<!tpu.dma_semaphore, #tpu.memory_space<semaphore_mem>>
          %dma_start3A_61 = tpu.memref_slice %arg4[%add3A_57] : memref<327680xi32, #tpu.memory_space<hbm>> -> memref<128xi32, #tpu.memory_space<hbm>>
          %dma_start3A_62 = tpu.memref_slice %arg4[%add3A_57] : memref<327680xi32, #tpu.memory_space<hbm>> -> memref<128xi32, #tpu.memory_space<hbm>>
          tpu.enqueue_dma source(%dma_start3A_62 : memref<128xi32, #tpu.memory_space<hbm>>) target(%arg9 : memref<128xi32, #tpu.memory_space<vmem>>) target_semaphore(%run_scoped3A : memref<!tpu.dma_semaphore, #tpu.memory_space<semaphore_mem>>)
          %dma_wait3A_63 = tpu.memref_slice %arg4[%add3A_57] : memref<327680xi32, #tpu.memory_space<hbm>> -> memref<128xi32, #tpu.memory_space<hbm>>
          %dma_wait3A_64 = tpu.memref_slice %arg4[%add3A_57] : memref<327680xi32, #tpu.memory_space<hbm>> -> memref<128xi32, #tpu.memory_space<hbm>>
          tpu.wait_dma2 semaphore(%run_scoped3A : memref<!tpu.dma_semaphore, #tpu.memory_space<semaphore_mem>>) src(%dma_wait3A_64 : memref<128xi32, #tpu.memory_space<hbm>>) dst(%arg9 : memref<128xi32, #tpu.memory_space<vmem>>)
          tpu.yield
        }) : () -> ()
        %dma_start3A_58 = arith.constant 0 : i32
        %dma_start3A_59 = arith.constant 0 : i32
        %dma_start3A_60 = tpu.memref_slice %arg2[%dma_start3A_58, %dma_start3A_59] : memref<10000x128xf32, #tpu.memory_space<hbm>> -> memref<10000x128xf32, #tpu.memory_space<hbm>>
        tpu.enqueue_indirect_dma source(%dma_start3A_60 : memref<10000x128xf32, #tpu.memory_space<hbm>>) target(%arg11 : memref<128x128xf32, #tpu.memory_space<vmem>>) offsets(%arg7 : memref<128xi32, #tpu.memory_space<vmem>>) semaphore(%arg14 : memref<!tpu.dma_semaphore, #tpu.memory_space<semaphore_mem>>)
      } else {
      }
      %mul3A_39 = arith.constant 2 : i32
      %mul3A_40 = arith.muli %scan3A_28, %mul3A_39 : i32
      %add3A_41 = arith.constant 1 : i32
      %add3A_42 = arith.addi %mul3A_40, %add3A_41 : i32
      %dma_wait3A_43 = arith.constant 0 : i32
      %dma_wait3A_44 = arith.constant 0 : i32
      %dma_wait3A_45 = tpu.memref_slice %arg2[%dma_wait3A_43, %dma_wait3A_44] : memref<10000x128xf32, #tpu.memory_space<hbm>> -> memref<10000x128xf32, #tpu.memory_space<hbm>>
      tpu.wait_indirect_dma semaphore(%arg15 : memref<!tpu.dma_semaphore, #tpu.memory_space<semaphore_mem>>) src(%dma_wait3A_45 : memref<10000x128xf32, #tpu.memory_space<hbm>>) dst(%arg12 : memref<128x128xf32, #tpu.memory_space<vmem>>)
      "tpu.region"() ({
        %run_scoped3A = tpu.sem_alloc : memref<!tpu.dma_semaphore, #tpu.memory_space<semaphore_mem>>
        %dma_start3A_53 = arith.constant 0 : i32
        %dma_start3A_54 = arith.constant 0 : i32
        %dma_start3A_55 = tpu.memref_slice %arg13[%dma_start3A_53, %dma_start3A_54] : memref<10240x128xf32, #tpu.memory_space<vmem_shared>> -> memref<10240x128xf32, #tpu.memory_space<vmem_shared>>
        tpu.enqueue_indirect_dma source(%arg12 : memref<128x128xf32, #tpu.memory_space<vmem>>) target(%dma_start3A_55 : memref<10240x128xf32, #tpu.memory_space<vmem_shared>>) offsets(%arg10 : memref<128xi32, #tpu.memory_space<vmem>>) semaphore(%run_scoped3A : memref<!tpu.dma_semaphore, #tpu.memory_space<semaphore_mem>>) {add = true}
        %dma_wait3A_56 = arith.constant 0 : i32
        %dma_wait3A_57 = arith.constant 0 : i32
        %dma_wait3A_58 = tpu.memref_slice %arg13[%dma_wait3A_56, %dma_wait3A_57] : memref<10240x128xf32, #tpu.memory_space<vmem_shared>> -> memref<10240x128xf32, #tpu.memory_space<vmem_shared>>
        tpu.wait_indirect_dma semaphore(%run_scoped3A : memref<!tpu.dma_semaphore, #tpu.memory_space<semaphore_mem>>) src(%arg12 : memref<128x128xf32, #tpu.memory_space<vmem>>) dst(%dma_wait3A_58 : memref<10240x128xf32, #tpu.memory_space<vmem_shared>>)
        tpu.yield
      }) : () -> ()
      %add3A_46 = arith.constant 2 : i32
      %add3A_47 = arith.addi %add3A_42, %add3A_46 : i32
      %lt3A_48 = arith.constant 80 : i32
      %lt3A_49 = arith.cmpi slt, %add3A_47, %lt3A_48 : i32
      %convert_element_type3A_50 = arith.extui %lt3A_49 : i1 to i32
      %cond3A_51 = arith.constant 0 : i32
      %cond3A_52 = arith.cmpi ne, %convert_element_type3A_50, %cond3A_51 : i32
      scf.if %cond3A_52 {
        %add3A_53 = arith.constant 2 : i32
        %add3A_54 = arith.addi %add3A_42, %add3A_53 : i32
        %mul3A_55 = arith.constant 128 : i32
        %mul3A_56 = arith.muli %add3A_54, %mul3A_55 : i32
        %add3A_57 = arith.addi %mul3A_4, %mul3A_56 : i32
        "tpu.region"() ({
          %run_scoped3A = tpu.sem_alloc : memref<!tpu.dma_semaphore, #tpu.memory_space<semaphore_mem>>
          %dma_start3A_61 = tpu.memref_slice %arg3[%add3A_57] : memref<327680xi32, #tpu.memory_space<hbm>> -> memref<128xi32, #tpu.memory_space<hbm>>
          %dma_start3A_62 = tpu.memref_slice %arg3[%add3A_57] : memref<327680xi32, #tpu.memory_space<hbm>> -> memref<128xi32, #tpu.memory_space<hbm>>
          tpu.enqueue_dma source(%dma_start3A_62 : memref<128xi32, #tpu.memory_space<hbm>>) target(%arg8 : memref<128xi32, #tpu.memory_space<vmem>>) target_semaphore(%run_scoped3A : memref<!tpu.dma_semaphore, #tpu.memory_space<semaphore_mem>>)
          %dma_wait3A_63 = tpu.memref_slice %arg3[%add3A_57] : memref<327680xi32, #tpu.memory_space<hbm>> -> memref<128xi32, #tpu.memory_space<hbm>>
          %dma_wait3A_64 = tpu.memref_slice %arg3[%add3A_57] : memref<327680xi32, #tpu.memory_space<hbm>> -> memref<128xi32, #tpu.memory_space<hbm>>
          tpu.wait_dma2 semaphore(%run_scoped3A : memref<!tpu.dma_semaphore, #tpu.memory_space<semaphore_mem>>) src(%dma_wait3A_64 : memref<128xi32, #tpu.memory_space<hbm>>) dst(%arg8 : memref<128xi32, #tpu.memory_space<vmem>>)
          tpu.yield
        }) : () -> ()
        "tpu.region"() ({
          %run_scoped3A = tpu.sem_alloc : memref<!tpu.dma_semaphore, #tpu.memory_space<semaphore_mem>>
          %dma_start3A_61 = tpu.memref_slice %arg4[%add3A_57] : memref<327680xi32, #tpu.memory_space<hbm>> -> memref<128xi32, #tpu.memory_space<hbm>>
          %dma_start3A_62 = tpu.memref_slice %arg4[%add3A_57] : memref<327680xi32, #tpu.memory_space<hbm>> -> memref<128xi32, #tpu.memory_space<hbm>>
          tpu.enqueue_dma source(%dma_start3A_62 : memref<128xi32, #tpu.memory_space<hbm>>) target(%arg10 : memref<128xi32, #tpu.memory_space<vmem>>) target_semaphore(%run_scoped3A : memref<!tpu.dma_semaphore, #tpu.memory_space<semaphore_mem>>)
          %dma_wait3A_63 = tpu.memref_slice %arg4[%add3A_57] : memref<327680xi32, #tpu.memory_space<hbm>> -> memref<128xi32, #tpu.memory_space<hbm>>
          %dma_wait3A_64 = tpu.memref_slice %arg4[%add3A_57] : memref<327680xi32, #tpu.memory_space<hbm>> -> memref<128xi32, #tpu.memory_space<hbm>>
          tpu.wait_dma2 semaphore(%run_scoped3A : memref<!tpu.dma_semaphore, #tpu.memory_space<semaphore_mem>>) src(%dma_wait3A_64 : memref<128xi32, #tpu.memory_space<hbm>>) dst(%arg10 : memref<128xi32, #tpu.memory_space<vmem>>)
          tpu.yield
        }) : () -> ()
        %dma_start3A_58 = arith.constant 0 : i32
        %dma_start3A_59 = arith.constant 0 : i32
        %dma_start3A_60 = tpu.memref_slice %arg2[%dma_start3A_58, %dma_start3A_59] : memref<10000x128xf32, #tpu.memory_space<hbm>> -> memref<10000x128xf32, #tpu.memory_space<hbm>>
        tpu.enqueue_indirect_dma source(%dma_start3A_60 : memref<10000x128xf32, #tpu.memory_space<hbm>>) target(%arg12 : memref<128x128xf32, #tpu.memory_space<vmem>>) offsets(%arg8 : memref<128xi32, #tpu.memory_space<vmem>>) semaphore(%arg15 : memref<!tpu.dma_semaphore, #tpu.memory_space<semaphore_mem>>)
      } else {
      }
    }
    %scan3A_22 = arith.constant 40 : i32
    %barrier3A_23 = arith.constant 0 : index
    tpu.barrier barrier_id(%barrier3A_23)
    %mul3A_24 = arith.constant 640 : i32
    %mul3A_25 = arith.muli %arg1, %mul3A_24 : i32
    %mul3A_26 = arith.constant 640 : i32
    %mul3A_27 = arith.muli %arg1, %mul3A_26 : i32
    "tpu.region"() ({
      %run_scoped3A = tpu.sem_alloc : memref<!tpu.dma_semaphore, #tpu.memory_space<semaphore_mem>>
      %dma_start3A_28 = arith.constant 0 : i32
      %dma_start3A_29 = arith.constant 0 : i32
      %dma_start3A_30 = tpu.memref_slice %arg6[%arg0, %dma_start3A_28, %dma_start3A_29] : memref<2x10240x128xf32, #tpu.memory_space<hbm>> -> memref<1x10240x128xf32, #tpu.memory_space<hbm>>
      %dma_start3A_31 = tpu.memref_squeeze %dma_start3A_30 : memref<1x10240x128xf32, #tpu.memory_space<hbm>> -> memref<10240x128xf32, #tpu.memory_space<hbm>>
      %dma_start3A_32 = arith.constant 0 : i32
      %dma_start3A_33 = tpu.memref_slice %dma_start3A_31[%mul3A_27, %dma_start3A_32] : memref<10240x128xf32, #tpu.memory_space<hbm>> -> memref<640x128xf32, #tpu.memory_space<hbm>>
      %dma_start3A_34 = arith.constant 0 : i32
      %dma_start3A_35 = tpu.memref_slice %arg13[%mul3A_25, %dma_start3A_34] : memref<10240x128xf32, #tpu.memory_space<vmem_shared>> -> memref<640x128xf32, #tpu.memory_space<vmem_shared>>
      tpu.enqueue_dma source(%dma_start3A_35 : memref<640x128xf32, #tpu.memory_space<vmem_shared>>) target(%dma_start3A_33 : memref<640x128xf32, #tpu.memory_space<hbm>>) target_semaphore(%run_scoped3A : memref<!tpu.dma_semaphore, #tpu.memory_space<semaphore_mem>>)
      %dma_wait3A = arith.constant 0 : i32
      %dma_wait3A_36 = arith.constant 0 : i32
      %dma_wait3A_37 = tpu.memref_slice %arg6[%arg0, %dma_wait3A, %dma_wait3A_36] : memref<2x10240x128xf32, #tpu.memory_space<hbm>> -> memref<1x10240x128xf32, #tpu.memory_space<hbm>>
      %dma_wait3A_38 = tpu.memref_squeeze %dma_wait3A_37 : memref<1x10240x128xf32, #tpu.memory_space<hbm>> -> memref<10240x128xf32, #tpu.memory_space<hbm>>
      %dma_wait3A_39 = arith.constant 0 : i32
      %dma_wait3A_40 = tpu.memref_slice %dma_wait3A_38[%mul3A_27, %dma_wait3A_39] : memref<10240x128xf32, #tpu.memory_space<hbm>> -> memref<640x128xf32, #tpu.memory_space<hbm>>
      %dma_wait3A_41 = arith.constant 0 : i32
      %dma_wait3A_42 = tpu.memref_slice %arg13[%mul3A_25, %dma_wait3A_41] : memref<10240x128xf32, #tpu.memory_space<vmem_shared>> -> memref<640x128xf32, #tpu.memory_space<vmem_shared>>
      tpu.wait_dma2 semaphore(%run_scoped3A : memref<!tpu.dma_semaphore, #tpu.memory_space<semaphore_mem>>) src(%dma_wait3A_42 : memref<640x128xf32, #tpu.memory_space<vmem_shared>>) dst(%dma_wait3A_40 : memref<640x128xf32, #tpu.memory_space<hbm>>)
      tpu.yield
    }) : () -> ()
    return
  }
}

#map = affine_map<(d0, d1) -> (0, 0)>
#map1 = affine_map<(d0, d1) -> (0)>
#map2 = affine_map<(d0, d1) -> (0, 0, 0)>
module attributes {stable_mosaic.version = 14 : i64} {
  func.func @seg_kernel(%arg0: i32, %arg1: i32, %arg2: memref<10000x128xf32, #tpu.memory_space<hbm>>, %arg3: memref<327680xi32, #tpu.memory_space<hbm>>, %arg4: memref<327680xi32, #tpu.memory_space<hbm>>, %arg5: memref<10240x128xf32, #tpu.memory_space<hbm>>, %arg6: memref<2x10240x128xf32, #tpu.memory_space<hbm>>, %arg7: memref<128xi32, #tpu.memory_space<vmem>>, %arg8: memref<128xi32, #tpu.memory_space<vmem>>, %arg9: memref<128xi32, #tpu.memory_space<vmem>>, %arg10: memref<128xi32, #tpu.memory_space<vmem>>, %arg11: memref<128x128xf32, #tpu.memory_space<vmem>>, %arg12: memref<128x128xf32, #tpu.memory_space<vmem>>, %arg13: memref<10240x128xf32, #tpu.memory_space<vmem_shared>>, %arg14: memref<!tpu.dma_semaphore, #tpu.memory_space<semaphore_mem>>, %arg15: memref<!tpu.dma_semaphore, #tpu.memory_space<semaphore_mem>>) attributes {dimension_semantics = [#tpu.dimension_semantics<core_parallel>, #tpu.dimension_semantics<subcore_parallel>], iteration_bounds = array<i64: 2, 16>, scalar_prefetch = 0 : i64, scratch_operands = 9 : i64, tpu.core_type = #tpu.core_type<sc_vector_subcore>, window_params = [{transform_indices = #map}, {transform_indices = #map1}, {transform_indices = #map1}, {transform_indices = #map}, {transform_indices = #map2}]} {
    %mul3A = arith.constant 16 : i32
    %mul3A_0 = arith.muli %arg0, %mul3A : i32
    %add3A = arith.addi %mul3A_0, %arg1 : i32
    %mul3A_1 = arith.constant 80 : i32
    %mul3A_2 = arith.muli %add3A, %mul3A_1 : i32
    %mul3A_3 = arith.constant 128 : i32
    %mul3A_4 = arith.muli %mul3A_2, %mul3A_3 : i32
    %mul3A_5 = arith.constant 640 : i32
    %mul3A_6 = arith.muli %arg1, %mul3A_5 : i32
    %mul3A_7 = arith.constant 640 : i32
    %mul3A_8 = arith.muli %arg1, %mul3A_7 : i32
    "tpu.region"() ({
      %run_scoped3A = tpu.sem_alloc : memref<!tpu.dma_semaphore, #tpu.memory_space<semaphore_mem>>
      %dma_start3A_28 = arith.constant 0 : i32
      %dma_start3A_29 = tpu.memref_slice %arg13[%mul3A_8, %dma_start3A_28] : memref<10240x128xf32, #tpu.memory_space<vmem_shared>> -> memref<640x128xf32, #tpu.memory_space<vmem_shared>>
      %dma_start3A_30 = arith.constant 0 : i32
      %dma_start3A_31 = tpu.memref_slice %arg5[%mul3A_6, %dma_start3A_30] : memref<10240x128xf32, #tpu.memory_space<hbm>> -> memref<640x128xf32, #tpu.memory_space<hbm>>
      tpu.enqueue_dma source(%dma_start3A_31 : memref<640x128xf32, #tpu.memory_space<hbm>>) target(%dma_start3A_29 : memref<640x128xf32, #tpu.memory_space<vmem_shared>>) target_semaphore(%run_scoped3A : memref<!tpu.dma_semaphore, #tpu.memory_space<semaphore_mem>>)
      %dma_wait3A = arith.constant 0 : i32
      %dma_wait3A_32 = tpu.memref_slice %arg13[%mul3A_8, %dma_wait3A] : memref<10240x128xf32, #tpu.memory_space<vmem_shared>> -> memref<640x128xf32, #tpu.memory_space<vmem_shared>>
      %dma_wait3A_33 = arith.constant 0 : i32
      %dma_wait3A_34 = tpu.memref_slice %arg5[%mul3A_6, %dma_wait3A_33] : memref<10240x128xf32, #tpu.memory_space<hbm>> -> memref<640x128xf32, #tpu.memory_space<hbm>>
      tpu.wait_dma2 semaphore(%run_scoped3A : memref<!tpu.dma_semaphore, #tpu.memory_space<semaphore_mem>>) src(%dma_wait3A_34 : memref<640x128xf32, #tpu.memory_space<hbm>>) dst(%dma_wait3A_32 : memref<640x128xf32, #tpu.memory_space<vmem_shared>>)
      tpu.yield
    }) : () -> ()
    %barrier3A = arith.constant 0 : index
    tpu.barrier barrier_id(%barrier3A)
    %add3A_9 = arith.constant 0 : i32
    %add3A_10 = arith.addi %mul3A_4, %add3A_9 : i32
    "tpu.region"() ({
      %run_scoped3A = tpu.sem_alloc : memref<!tpu.dma_semaphore, #tpu.memory_space<semaphore_mem>>
      %dma_start3A_28 = tpu.memref_slice %arg3[%add3A_10] : memref<327680xi32, #tpu.memory_space<hbm>> -> memref<128xi32, #tpu.memory_space<hbm>>
      %dma_start3A_29 = tpu.memref_slice %arg3[%add3A_10] : memref<327680xi32, #tpu.memory_space<hbm>> -> memref<128xi32, #tpu.memory_space<hbm>>
      tpu.enqueue_dma source(%dma_start3A_29 : memref<128xi32, #tpu.memory_space<hbm>>) target(%arg7 : memref<128xi32, #tpu.memory_space<vmem>>) target_semaphore(%run_scoped3A : memref<!tpu.dma_semaphore, #tpu.memory_space<semaphore_mem>>)
      %dma_wait3A = tpu.memref_slice %arg3[%add3A_10] : memref<327680xi32, #tpu.memory_space<hbm>> -> memref<128xi32, #tpu.memory_space<hbm>>
      %dma_wait3A_30 = tpu.memref_slice %arg3[%add3A_10] : memref<327680xi32, #tpu.memory_space<hbm>> -> memref<128xi32, #tpu.memory_space<hbm>>
      tpu.wait_dma2 semaphore(%run_scoped3A : memref<!tpu.dma_semaphore, #tpu.memory_space<semaphore_mem>>) src(%dma_wait3A_30 : memref<128xi32, #tpu.memory_space<hbm>>) dst(%arg7 : memref<128xi32, #tpu.memory_space<vmem>>)
      tpu.yield
    }) : () -> ()
    "tpu.region"() ({
      %run_scoped3A = tpu.sem_alloc : memref<!tpu.dma_semaphore, #tpu.memory_space<semaphore_mem>>
      %dma_start3A_28 = tpu.memref_slice %arg4[%add3A_10] : memref<327680xi32, #tpu.memory_space<hbm>> -> memref<128xi32, #tpu.memory_space<hbm>>
      %dma_start3A_29 = tpu.memref_slice %arg4[%add3A_10] : memref<327680xi32, #tpu.memory_space<hbm>> -> memref<128xi32, #tpu.memory_space<hbm>>
      tpu.enqueue_dma source(%dma_start3A_29 : memref<128xi32, #tpu.memory_space<hbm>>) target(%arg9 : memref<128xi32, #tpu.memory_space<vmem>>) target_semaphore(%run_scoped3A : memref<!tpu.dma_semaphore, #tpu.memory_space<semaphore_mem>>)
      %dma_wait3A = tpu.memref_slice %arg4[%add3A_10] : memref<327680xi32, #tpu.memory_space<hbm>> -> memref<128xi32, #tpu.memory_space<hbm>>
      %dma_wait3A_30 = tpu.memref_slice %arg4[%add3A_10] : memref<327680xi32, #tpu.memory_space<hbm>> -> memref<128xi32, #tpu.memory_space<hbm>>
      tpu.wait_dma2 semaphore(%run_scoped3A : memref<!tpu.dma_semaphore, #tpu.memory_space<semaphore_mem>>) src(%dma_wait3A_30 : memref<128xi32, #tpu.memory_space<hbm>>) dst(%arg9 : memref<128xi32, #tpu.memory_space<vmem>>)
      tpu.yield
    }) : () -> ()
    %dma_start3A = arith.constant 0 : i32
    %dma_start3A_11 = arith.constant 0 : i32
    %dma_start3A_12 = tpu.memref_slice %arg2[%dma_start3A, %dma_start3A_11] : memref<10000x128xf32, #tpu.memory_space<hbm>> -> memref<10000x128xf32, #tpu.memory_space<hbm>>
    tpu.enqueue_indirect_dma source(%dma_start3A_12 : memref<10000x128xf32, #tpu.memory_space<hbm>>) target(%arg11 : memref<128x128xf32, #tpu.memory_space<vmem>>) offsets(%arg7 : memref<128xi32, #tpu.memory_space<vmem>>) semaphore(%arg14 : memref<!tpu.dma_semaphore, #tpu.memory_space<semaphore_mem>>)
    %add3A_13 = arith.constant 128 : i32
    %add3A_14 = arith.addi %mul3A_4, %add3A_13 : i32
    "tpu.region"() ({
      %run_scoped3A = tpu.sem_alloc : memref<!tpu.dma_semaphore, #tpu.memory_space<semaphore_mem>>
      %dma_start3A_28 = tpu.memref_slice %arg3[%add3A_14] : memref<327680xi32, #tpu.memory_space<hbm>> -> memref<128xi32, #tpu.memory_space<hbm>>
      %dma_start3A_29 = tpu.memref_slice %arg3[%add3A_14] : memref<327680xi32, #tpu.memory_space<hbm>> -> memref<128xi32, #tpu.memory_space<hbm>>
      tpu.enqueue_dma source(%dma_start3A_29 : memref<128xi32, #tpu.memory_space<hbm>>) target(%arg8 : memref<128xi32, #tpu.memory_space<vmem>>) target_semaphore(%run_scoped3A : memref<!tpu.dma_semaphore, #tpu.memory_space<semaphore_mem>>)
      %dma_wait3A = tpu.memref_slice %arg3[%add3A_14] : memref<327680xi32, #tpu.memory_space<hbm>> -> memref<128xi32, #tpu.memory_space<hbm>>
      %dma_wait3A_30 = tpu.memref_slice %arg3[%add3A_14] : memref<327680xi32, #tpu.memory_space<hbm>> -> memref<128xi32, #tpu.memory_space<hbm>>
      tpu.wait_dma2 semaphore(%run_scoped3A : memref<!tpu.dma_semaphore, #tpu.memory_space<semaphore_mem>>) src(%dma_wait3A_30 : memref<128xi32, #tpu.memory_space<hbm>>) dst(%arg8 : memref<128xi32, #tpu.memory_space<vmem>>)
      tpu.yield
    }) : () -> ()
    "tpu.region"() ({
      %run_scoped3A = tpu.sem_alloc : memref<!tpu.dma_semaphore, #tpu.memory_space<semaphore_mem>>
      %dma_start3A_28 = tpu.memref_slice %arg4[%add3A_14] : memref<327680xi32, #tpu.memory_space<hbm>> -> memref<128xi32, #tpu.memory_space<hbm>>
      %dma_start3A_29 = tpu.memref_slice %arg4[%add3A_14] : memref<327680xi32, #tpu.memory_space<hbm>> -> memref<128xi32, #tpu.memory_space<hbm>>
      tpu.enqueue_dma source(%dma_start3A_29 : memref<128xi32, #tpu.memory_space<hbm>>) target(%arg10 : memref<128xi32, #tpu.memory_space<vmem>>) target_semaphore(%run_scoped3A : memref<!tpu.dma_semaphore, #tpu.memory_space<semaphore_mem>>)
      %dma_wait3A = tpu.memref_slice %arg4[%add3A_14] : memref<327680xi32, #tpu.memory_space<hbm>> -> memref<128xi32, #tpu.memory_space<hbm>>
      %dma_wait3A_30 = tpu.memref_slice %arg4[%add3A_14] : memref<327680xi32, #tpu.memory_space<hbm>> -> memref<128xi32, #tpu.memory_space<hbm>>
      tpu.wait_dma2 semaphore(%run_scoped3A : memref<!tpu.dma_semaphore, #tpu.memory_space<semaphore_mem>>) src(%dma_wait3A_30 : memref<128xi32, #tpu.memory_space<hbm>>) dst(%arg10 : memref<128xi32, #tpu.memory_space<vmem>>)
      tpu.yield
    }) : () -> ()
    %dma_start3A_15 = arith.constant 0 : i32
    %dma_start3A_16 = arith.constant 0 : i32
    %dma_start3A_17 = tpu.memref_slice %arg2[%dma_start3A_15, %dma_start3A_16] : memref<10000x128xf32, #tpu.memory_space<hbm>> -> memref<10000x128xf32, #tpu.memory_space<hbm>>
    tpu.enqueue_indirect_dma source(%dma_start3A_17 : memref<10000x128xf32, #tpu.memory_space<hbm>>) target(%arg12 : memref<128x128xf32, #tpu.memory_space<vmem>>) offsets(%arg8 : memref<128xi32, #tpu.memory_space<vmem>>) semaphore(%arg15 : memref<!tpu.dma_semaphore, #tpu.memory_space<semaphore_mem>>)
    %scan3A = arith.constant 0 : i32
    %scan3A_18 = arith.constant 0 : i32
    %scan3A_19 = arith.constant 40 : i32
    %scan3A_20 = arith.addi %scan3A_18, %scan3A_19 : i32
    %scan3A_21 = arith.constant 1 : i32
    scf.for %scan3A_28 = %scan3A_18 to %scan3A_20 step %scan3A_21  : i32 {
      %mul3A_29 = arith.constant 2 : i32
      %mul3A_30 = arith.muli %scan3A_28, %mul3A_29 : i32
      %add3A_31 = arith.constant 0 : i32
      %add3A_32 = arith.addi %mul3A_30, %add3A_31 : i32
      %dma_wait3A = arith.constant 0 : i32
      %dma_wait3A_33 = arith.constant 0 : i32
      %dma_wait3A_34 = tpu.memref_slice %arg2[%dma_wait3A, %dma_wait3A_33] : memref<10000x128xf32, #tpu.memory_space<hbm>> -> memref<10000x128xf32, #tpu.memory_space<hbm>>
      tpu.wait_indirect_dma semaphore(%arg14 : memref<!tpu.dma_semaphore, #tpu.memory_space<semaphore_mem>>) src(%dma_wait3A_34 : memref<10000x128xf32, #tpu.memory_space<hbm>>) dst(%arg11 : memref<128x128xf32, #tpu.memory_space<vmem>>)
      "tpu.region"() ({
        %run_scoped3A = tpu.sem_alloc : memref<!tpu.dma_semaphore, #tpu.memory_space<semaphore_mem>>
        %dma_start3A_53 = arith.constant 0 : i32
        %dma_start3A_54 = arith.constant 0 : i32
        %dma_start3A_55 = tpu.memref_slice %arg13[%dma_start3A_53, %dma_start3A_54] : memref<10240x128xf32, #tpu.memory_space<vmem_shared>> -> memref<10240x128xf32, #tpu.memory_space<vmem_shared>>
        tpu.enqueue_indirect_dma source(%arg11 : memref<128x128xf32, #tpu.memory_space<vmem>>) target(%dma_start3A_55 : memref<10240x128xf32, #tpu.memory_space<vmem_shared>>) offsets(%arg9 : memref<128xi32, #tpu.memory_space<vmem>>) semaphore(%run_scoped3A : memref<!tpu.dma_semaphore, #tpu.memory_space<semaphore_mem>>) {add = true}
        %dma_wait3A_56 = arith.constant 0 : i32
        %dma_wait3A_57 = arith.constant 0 : i32
        %dma_wait3A_58 = tpu.memref_slice %arg13[%dma_wait3A_56, %dma_wait3A_57] : memref<10240x128xf32, #tpu.memory_space<vmem_shared>> -> memref<10240x128xf32, #tpu.memory_space<vmem_shared>>
        tpu.wait_indirect_dma semaphore(%run_scoped3A : memref<!tpu.dma_semaphore, #tpu.memory_space<semaphore_mem>>) src(%arg11 : memref<128x128xf32, #tpu.memory_space<vmem>>) dst(%dma_wait3A_58 : memref<10240x128xf32, #tpu.memory_space<vmem_shared>>)
        tpu.yield
      }) : () -> ()
      %add3A_35 = arith.constant 2 : i32
      %add3A_36 = arith.addi %add3A_32, %add3A_35 : i32
      %lt3A = arith.constant 80 : i32
      %lt3A_37 = arith.cmpi slt, %add3A_36, %lt3A : i32
      %convert_element_type3A = arith.extui %lt3A_37 : i1 to i32
      %cond3A = arith.constant 0 : i32
      %cond3A_38 = arith.cmpi ne, %convert_element_type3A, %cond3A : i32
      scf.if %cond3A_38 {
        %add3A_53 = arith.constant 2 : i32
        %add3A_54 = arith.addi %add3A_32, %add3A_53 : i32
        %mul3A_55 = arith.constant 128 : i32
        %mul3A_56 = arith.muli %add3A_54, %mul3A_55 : i32
        %add3A_57 = arith.addi %mul3A_4, %mul3A_56 : i32
        "tpu.region"() ({
          %run_scoped3A = tpu.sem_alloc : memref<!tpu.dma_semaphore, #tpu.memory_space<semaphore_mem>>
          %dma_start3A_61 = tpu.memref_slice %arg3[%add3A_57] : memref<327680xi32, #tpu.memory_space<hbm>> -> memref<128xi32, #tpu.memory_space<hbm>>
          %dma_start3A_62 = tpu.memref_slice %arg3[%add3A_57] : memref<327680xi32, #tpu.memory_space<hbm>> -> memref<128xi32, #tpu.memory_space<hbm>>
          tpu.enqueue_dma source(%dma_start3A_62 : memref<128xi32, #tpu.memory_space<hbm>>) target(%arg7 : memref<128xi32, #tpu.memory_space<vmem>>) target_semaphore(%run_scoped3A : memref<!tpu.dma_semaphore, #tpu.memory_space<semaphore_mem>>)
          %dma_wait3A_63 = tpu.memref_slice %arg3[%add3A_57] : memref<327680xi32, #tpu.memory_space<hbm>> -> memref<128xi32, #tpu.memory_space<hbm>>
          %dma_wait3A_64 = tpu.memref_slice %arg3[%add3A_57] : memref<327680xi32, #tpu.memory_space<hbm>> -> memref<128xi32, #tpu.memory_space<hbm>>
          tpu.wait_dma2 semaphore(%run_scoped3A : memref<!tpu.dma_semaphore, #tpu.memory_space<semaphore_mem>>) src(%dma_wait3A_64 : memref<128xi32, #tpu.memory_space<hbm>>) dst(%arg7 : memref<128xi32, #tpu.memory_space<vmem>>)
          tpu.yield
        }) : () -> ()
        "tpu.region"() ({
          %run_scoped3A = tpu.sem_alloc : memref<!tpu.dma_semaphore, #tpu.memory_space<semaphore_mem>>
          %dma_start3A_61 = tpu.memref_slice %arg4[%add3A_57] : memref<327680xi32, #tpu.memory_space<hbm>> -> memref<128xi32, #tpu.memory_space<hbm>>
          %dma_start3A_62 = tpu.memref_slice %arg4[%add3A_57] : memref<327680xi32, #tpu.memory_space<hbm>> -> memref<128xi32, #tpu.memory_space<hbm>>
          tpu.enqueue_dma source(%dma_start3A_62 : memref<128xi32, #tpu.memory_space<hbm>>) target(%arg9 : memref<128xi32, #tpu.memory_space<vmem>>) target_semaphore(%run_scoped3A : memref<!tpu.dma_semaphore, #tpu.memory_space<semaphore_mem>>)
          %dma_wait3A_63 = tpu.memref_slice %arg4[%add3A_57] : memref<327680xi32, #tpu.memory_space<hbm>> -> memref<128xi32, #tpu.memory_space<hbm>>
          %dma_wait3A_64 = tpu.memref_slice %arg4[%add3A_57] : memref<327680xi32, #tpu.memory_space<hbm>> -> memref<128xi32, #tpu.memory_space<hbm>>
          tpu.wait_dma2 semaphore(%run_scoped3A : memref<!tpu.dma_semaphore, #tpu.memory_space<semaphore_mem>>) src(%dma_wait3A_64 : memref<128xi32, #tpu.memory_space<hbm>>) dst(%arg9 : memref<128xi32, #tpu.memory_space<vmem>>)
          tpu.yield
        }) : () -> ()
        %dma_start3A_58 = arith.constant 0 : i32
        %dma_start3A_59 = arith.constant 0 : i32
        %dma_start3A_60 = tpu.memref_slice %arg2[%dma_start3A_58, %dma_start3A_59] : memref<10000x128xf32, #tpu.memory_space<hbm>> -> memref<10000x128xf32, #tpu.memory_space<hbm>>
        tpu.enqueue_indirect_dma source(%dma_start3A_60 : memref<10000x128xf32, #tpu.memory_space<hbm>>) target(%arg11 : memref<128x128xf32, #tpu.memory_space<vmem>>) offsets(%arg7 : memref<128xi32, #tpu.memory_space<vmem>>) semaphore(%arg14 : memref<!tpu.dma_semaphore, #tpu.memory_space<semaphore_mem>>)
      } else {
      }
      %mul3A_39 = arith.constant 2 : i32
      %mul3A_40 = arith.muli %scan3A_28, %mul3A_39 : i32
      %add3A_41 = arith.constant 1 : i32
      %add3A_42 = arith.addi %mul3A_40, %add3A_41 : i32
      %dma_wait3A_43 = arith.constant 0 : i32
      %dma_wait3A_44 = arith.constant 0 : i32
      %dma_wait3A_45 = tpu.memref_slice %arg2[%dma_wait3A_43, %dma_wait3A_44] : memref<10000x128xf32, #tpu.memory_space<hbm>> -> memref<10000x128xf32, #tpu.memory_space<hbm>>
      tpu.wait_indirect_dma semaphore(%arg15 : memref<!tpu.dma_semaphore, #tpu.memory_space<semaphore_mem>>) src(%dma_wait3A_45 : memref<10000x128xf32, #tpu.memory_space<hbm>>) dst(%arg12 : memref<128x128xf32, #tpu.memory_space<vmem>>)
      "tpu.region"() ({
        %run_scoped3A = tpu.sem_alloc : memref<!tpu.dma_semaphore, #tpu.memory_space<semaphore_mem>>
        %dma_start3A_53 = arith.constant 0 : i32
        %dma_start3A_54 = arith.constant 0 : i32
        %dma_start3A_55 = tpu.memref_slice %arg13[%dma_start3A_53, %dma_start3A_54] : memref<10240x128xf32, #tpu.memory_space<vmem_shared>> -> memref<10240x128xf32, #tpu.memory_space<vmem_shared>>
        tpu.enqueue_indirect_dma source(%arg12 : memref<128x128xf32, #tpu.memory_space<vmem>>) target(%dma_start3A_55 : memref<10240x128xf32, #tpu.memory_space<vmem_shared>>) offsets(%arg10 : memref<128xi32, #tpu.memory_space<vmem>>) semaphore(%run_scoped3A : memref<!tpu.dma_semaphore, #tpu.memory_space<semaphore_mem>>) {add = true}
        %dma_wait3A_56 = arith.constant 0 : i32
        %dma_wait3A_57 = arith.constant 0 : i32
        %dma_wait3A_58 = tpu.memref_slice %arg13[%dma_wait3A_56, %dma_wait3A_57] : memref<10240x128xf32, #tpu.memory_space<vmem_shared>> -> memref<10240x128xf32, #tpu.memory_space<vmem_shared>>
        tpu.wait_indirect_dma semaphore(%run_scoped3A : memref<!tpu.dma_semaphore, #tpu.memory_space<semaphore_mem>>) src(%arg12 : memref<128x128xf32, #tpu.memory_space<vmem>>) dst(%dma_wait3A_58 : memref<10240x128xf32, #tpu.memory_space<vmem_shared>>)
        tpu.yield
      }) : () -> ()
      %add3A_46 = arith.constant 2 : i32
      %add3A_47 = arith.addi %add3A_42, %add3A_46 : i32
      %lt3A_48 = arith.constant 80 : i32
      %lt3A_49 = arith.cmpi slt, %add3A_47, %lt3A_48 : i32
      %convert_element_type3A_50 = arith.extui %lt3A_49 : i1 to i32
      %cond3A_51 = arith.constant 0 : i32
      %cond3A_52 = arith.cmpi ne, %convert_element_type3A_50, %cond3A_51 : i32
      scf.if %cond3A_52 {
        %add3A_53 = arith.constant 2 : i32
        %add3A_54 = arith.addi %add3A_42, %add3A_53 : i32
        %mul3A_55 = arith.constant 128 : i32
        %mul3A_56 = arith.muli %add3A_54, %mul3A_55 : i32
        %add3A_57 = arith.addi %mul3A_4, %mul3A_56 : i32
        "tpu.region"() ({
          %run_scoped3A = tpu.sem_alloc : memref<!tpu.dma_semaphore, #tpu.memory_space<semaphore_mem>>
          %dma_start3A_61 = tpu.memref_slice %arg3[%add3A_57] : memref<327680xi32, #tpu.memory_space<hbm>> -> memref<128xi32, #tpu.memory_space<hbm>>
          %dma_start3A_62 = tpu.memref_slice %arg3[%add3A_57] : memref<327680xi32, #tpu.memory_space<hbm>> -> memref<128xi32, #tpu.memory_space<hbm>>
          tpu.enqueue_dma source(%dma_start3A_62 : memref<128xi32, #tpu.memory_space<hbm>>) target(%arg8 : memref<128xi32, #tpu.memory_space<vmem>>) target_semaphore(%run_scoped3A : memref<!tpu.dma_semaphore, #tpu.memory_space<semaphore_mem>>)
          %dma_wait3A_63 = tpu.memref_slice %arg3[%add3A_57] : memref<327680xi32, #tpu.memory_space<hbm>> -> memref<128xi32, #tpu.memory_space<hbm>>
          %dma_wait3A_64 = tpu.memref_slice %arg3[%add3A_57] : memref<327680xi32, #tpu.memory_space<hbm>> -> memref<128xi32, #tpu.memory_space<hbm>>
          tpu.wait_dma2 semaphore(%run_scoped3A : memref<!tpu.dma_semaphore, #tpu.memory_space<semaphore_mem>>) src(%dma_wait3A_64 : memref<128xi32, #tpu.memory_space<hbm>>) dst(%arg8 : memref<128xi32, #tpu.memory_space<vmem>>)
          tpu.yield
        }) : () -> ()
        "tpu.region"() ({
          %run_scoped3A = tpu.sem_alloc : memref<!tpu.dma_semaphore, #tpu.memory_space<semaphore_mem>>
          %dma_start3A_61 = tpu.memref_slice %arg4[%add3A_57] : memref<327680xi32, #tpu.memory_space<hbm>> -> memref<128xi32, #tpu.memory_space<hbm>>
          %dma_start3A_62 = tpu.memref_slice %arg4[%add3A_57] : memref<327680xi32, #tpu.memory_space<hbm>> -> memref<128xi32, #tpu.memory_space<hbm>>
          tpu.enqueue_dma source(%dma_start3A_62 : memref<128xi32, #tpu.memory_space<hbm>>) target(%arg10 : memref<128xi32, #tpu.memory_space<vmem>>) target_semaphore(%run_scoped3A : memref<!tpu.dma_semaphore, #tpu.memory_space<semaphore_mem>>)
          %dma_wait3A_63 = tpu.memref_slice %arg4[%add3A_57] : memref<327680xi32, #tpu.memory_space<hbm>> -> memref<128xi32, #tpu.memory_space<hbm>>
          %dma_wait3A_64 = tpu.memref_slice %arg4[%add3A_57] : memref<327680xi32, #tpu.memory_space<hbm>> -> memref<128xi32, #tpu.memory_space<hbm>>
          tpu.wait_dma2 semaphore(%run_scoped3A : memref<!tpu.dma_semaphore, #tpu.memory_space<semaphore_mem>>) src(%dma_wait3A_64 : memref<128xi32, #tpu.memory_space<hbm>>) dst(%arg10 : memref<128xi32, #tpu.memory_space<vmem>>)
          tpu.yield
        }) : () -> ()
        %dma_start3A_58 = arith.constant 0 : i32
        %dma_start3A_59 = arith.constant 0 : i32
        %dma_start3A_60 = tpu.memref_slice %arg2[%dma_start3A_58, %dma_start3A_59] : memref<10000x128xf32, #tpu.memory_space<hbm>> -> memref<10000x128xf32, #tpu.memory_space<hbm>>
        tpu.enqueue_indirect_dma source(%dma_start3A_60 : memref<10000x128xf32, #tpu.memory_space<hbm>>) target(%arg12 : memref<128x128xf32, #tpu.memory_space<vmem>>) offsets(%arg8 : memref<128xi32, #tpu.memory_space<vmem>>) semaphore(%arg15 : memref<!tpu.dma_semaphore, #tpu.memory_space<semaphore_mem>>)
      } else {
      }
    }
    %scan3A_22 = arith.constant 40 : i32
    %barrier3A_23 = arith.constant 0 : index
    tpu.barrier barrier_id(%barrier3A_23)
    %mul3A_24 = arith.constant 640 : i32
    %mul3A_25 = arith.muli %arg1, %mul3A_24 : i32
    %mul3A_26 = arith.constant 640 : i32
    %mul3A_27 = arith.muli %arg1, %mul3A_26 : i32
    "tpu.region"() ({
      %run_scoped3A = tpu.sem_alloc : memref<!tpu.dma_semaphore, #tpu.memory_space<semaphore_mem>>
      %dma_start3A_28 = arith.constant 0 : i32
      %dma_start3A_29 = arith.constant 0 : i32
      %dma_start3A_30 = tpu.memref_slice %arg6[%arg0, %dma_start3A_28, %dma_start3A_29] : memref<2x10240x128xf32, #tpu.memory_space<hbm>> -> memref<1x10240x128xf32, #tpu.memory_space<hbm>>
      %dma_start3A_31 = tpu.memref_squeeze %dma_start3A_30 : memref<1x10240x128xf32, #tpu.memory_space<hbm>> -> memref<10240x128xf32, #tpu.memory_space<hbm>>
      %dma_start3A_32 = arith.constant 0 : i32
      %dma_start3A_33 = tpu.memref_slice %dma_start3A_31[%mul3A_27, %dma_start3A_32] : memref<10240x128xf32, #tpu.memory_space<hbm>> -> memref<640x128xf32, #tpu.memory_space<hbm>>
      %dma_start3A_34 = arith.constant 0 : i32
      %dma_start3A_35 = tpu.memref_slice %arg13[%mul3A_25, %dma_start3A_34] : memref<10240x128xf32, #tpu.memory_space<vmem_shared>> -> memref<640x128xf32, #tpu.memory_space<vmem_shared>>
      tpu.enqueue_dma source(%dma_start3A_35 : memref<640x128xf32, #tpu.memory_space<vmem_shared>>) target(%dma_start3A_33 : memref<640x128xf32, #tpu.memory_space<hbm>>) target_semaphore(%run_scoped3A : memref<!tpu.dma_semaphore, #tpu.memory_space<semaphore_mem>>)
      %dma_wait3A = arith.constant 0 : i32
      %dma_wait3A_36 = arith.constant 0 : i32
      %dma_wait3A_37 = tpu.memref_slice %arg6[%arg0, %dma_wait3A, %dma_wait3A_36] : memref<2x10240x128xf32, #tpu.memory_space<hbm>> -> memref<1x10240x128xf32, #tpu.memory_space<hbm>>
      %dma_wait3A_38 = tpu.memref_squeeze %dma_wait3A_37 : memref<1x10240x128xf32, #tpu.memory_space<hbm>> -> memref<10240x128xf32, #tpu.memory_space<hbm>>
      %dma_wait3A_39 = arith.constant 0 : i32
      %dma_wait3A_40 = tpu.memref_slice %dma_wait3A_38[%mul3A_27, %dma_wait3A_39] : memref<10240x128xf32, #tpu.memory_space<hbm>> -> memref<640x128xf32, #tpu.memory_space<hbm>>
      %dma_wait3A_41 = arith.constant 0 : i32
      %dma_wait3A_42 = tpu.memref_slice %arg13[%mul3A_25, %dma_wait3A_41] : memref<10240x128xf32, #tpu.memory_space<vmem_shared>> -> memref<640x128xf32, #tpu.memory_space<vmem_shared>>
      tpu.wait_dma2 semaphore(%run_scoped3A : memref<!tpu.dma_semaphore, #tpu.memory_space<semaphore_mem>>) src(%dma_wait3A_42 : memref<640x128xf32, #tpu.memory_space<vmem_shared>>) dst(%dma_wait3A_40 : memref<640x128xf32, #tpu.memory_space<hbm>>)
      tpu.yield
    }) : () -> ()
    return
  }
}

module attributes {stable_mosaic.version = 14 : i64} {
  func.func @body(%arg0: i32, %arg1: memref<1000x128xf32, #tpu.memory_space<vmem>>, %arg2: memref<1000x128xf32, #tpu.memory_space<vmem>>, %arg3: memref<1000x128xf32, #tpu.memory_space<vmem>>, %arg4: memref<128x128xf32, #tpu.memory_space<vmem>>, %arg5: memref<1x128xf32, #tpu.memory_space<vmem>>, %arg6: memref<128x128xf32, #tpu.memory_space<vmem>>, %arg7: memref<1x128xf32, #tpu.memory_space<vmem>>, %arg8: memref<1000x128xf32, #tpu.memory_space<vmem>>) attributes {dimension_semantics = [#tpu.dimension_semantics<arbitrary>], iteration_bounds = array<i64: 10>, scalar_prefetch = 0 : i64, scratch_operands = 0 : i64, tpu.core_type = #tpu.core_type<tc>, window_params = [{transform_indices = @transform_0, window_bounds = array<i64: 1000, 128>}, {transform_indices = @transform_1, window_bounds = array<i64: 1000, 128>}, {transform_indices = @transform_2, window_bounds = array<i64: 1000, 128>}, {pipeline_mode = #tpu.pipeline_mode<synchronous>, transform_indices = @transform_3, window_bounds = array<i64: 128, 128>}, {pipeline_mode = #tpu.pipeline_mode<synchronous>, transform_indices = @transform_4, window_bounds = array<i64: 1, 128>}, {pipeline_mode = #tpu.pipeline_mode<synchronous>, transform_indices = @transform_5, window_bounds = array<i64: 128, 128>}, {pipeline_mode = #tpu.pipeline_mode<synchronous>, transform_indices = @transform_6, window_bounds = array<i64: 1, 128>}, {transform_indices = @transform_7, window_bounds = array<i64: 1000, 128>}]} {
    %get3A = arith.constant 0 : index
    %get3A_0 = arith.constant 0 : index
    %get3A_1 = vector.load %arg1[%get3A, %get3A_0] : memref<1000x128xf32, #tpu.memory_space<vmem>>, vector<1000x128xf32>
    %get3A_2 = arith.constant 0 : index
    %get3A_3 = arith.constant 0 : index
    %get3A_4 = vector.load %arg2[%get3A_2, %get3A_3] : memref<1000x128xf32, #tpu.memory_space<vmem>>, vector<1000x128xf32>
    %add3A = arith.addf %get3A_1, %get3A_4 : vector<1000x128xf32>
    %get3A_5 = arith.constant 0 : index
    %get3A_6 = arith.constant 0 : index
    %get3A_7 = vector.load %arg3[%get3A_5, %get3A_6] : memref<1000x128xf32, #tpu.memory_space<vmem>>, vector<1000x128xf32>
    %add3A_8 = arith.addf %add3A, %get3A_7 : vector<1000x128xf32>
    %get3A_9 = arith.constant 0 : index
    %get3A_10 = arith.constant 0 : index
    %get3A_11 = vector.load %arg4[%get3A_9, %get3A_10] : memref<128x128xf32, #tpu.memory_space<vmem>>, vector<128x128xf32>
    %dot_general3A = arith.constant dense<0.000000e+00> : vector<1000x128xf32>
    %dot_general3A_12 = tpu.matmul %add3A_8, %get3A_11, %dot_general3A {dimension_numbers = #tpu.dot_dimension_numbers<[1], [0], [0], [1], [0, 0, 1, 1], [], []>, transpose_lhs_hint = false} : vector<1000x128xf32>, vector<128x128xf32>, vector<1000x128xf32> -> vector<1000x128xf32>
    %get3A_13 = arith.constant 0 : index
    %get3A_14 = arith.constant 0 : index
    %get3A_15 = vector.load %arg5[%get3A_13, %get3A_14] : memref<1x128xf32, #tpu.memory_space<vmem>>, vector<1x128xf32>
    %add3A_16 = vector.broadcast %get3A_15 : vector<1x128xf32> to vector<1000x128xf32>
    %add3A_17 = arith.addf %dot_general3A_12, %add3A_16 : vector<1000x128xf32>
    %max3A = arith.constant 0.000000e+00 : f32
    %max3A_18 = vector.broadcast %max3A : f32 to vector<1000x128xf32>
    %max3A_19 = arith.maximumf %add3A_17, %max3A_18 : vector<1000x128xf32>
    %get3A_20 = arith.constant 0 : index
    %get3A_21 = arith.constant 0 : index
    %get3A_22 = vector.load %arg6[%get3A_20, %get3A_21] : memref<128x128xf32, #tpu.memory_space<vmem>>, vector<128x128xf32>
    %dot_general3A_23 = arith.constant dense<0.000000e+00> : vector<1000x128xf32>
    %dot_general3A_24 = tpu.matmul %max3A_19, %get3A_22, %dot_general3A_23 {dimension_numbers = #tpu.dot_dimension_numbers<[1], [0], [0], [1], [0, 0, 1, 1], [], []>, transpose_lhs_hint = false} : vector<1000x128xf32>, vector<128x128xf32>, vector<1000x128xf32> -> vector<1000x128xf32>
    %get3A_25 = arith.constant 0 : index
    %get3A_26 = arith.constant 0 : index
    %get3A_27 = vector.load %arg7[%get3A_25, %get3A_26] : memref<1x128xf32, #tpu.memory_space<vmem>>, vector<1x128xf32>
    %add3A_28 = vector.broadcast %get3A_27 : vector<1x128xf32> to vector<1000x128xf32>
    %add3A_29 = arith.addf %dot_general3A_24, %add3A_28 : vector<1000x128xf32>
    %max3A_30 = arith.constant 0.000000e+00 : f32
    %max3A_31 = vector.broadcast %max3A_30 : f32 to vector<1000x128xf32>
    %max3A_32 = arith.maximumf %add3A_29, %max3A_31 : vector<1000x128xf32>
    %swap3A = arith.constant 0 : index
    %swap3A_33 = arith.constant 0 : index
    %swap3A_34 = vector.load %arg8[%swap3A, %swap3A_33] : memref<1000x128xf32, #tpu.memory_space<vmem>>, vector<1000x128xf32>
    tpu.vector_store %arg8[%swap3A, %swap3A_33], %max3A_32 {strides = array<i32>} : memref<1000x128xf32, #tpu.memory_space<vmem>>, vector<1000x128xf32>,
    return
  }
  func.func @transform_0(%arg0: i32) -> (i32, i32) {
    %c0_i32 = arith.constant 0 : i32
    %c0_i32_0 = arith.constant 0 : i32
    return %arg0, %c0_i32 : i32, i32
  }
  func.func @transform_1(%arg0: i32) -> (i32, i32) {
    %c0_i32 = arith.constant 0 : i32
    %c0_i32_0 = arith.constant 0 : i32
    return %arg0, %c0_i32 : i32, i32
  }
  func.func @transform_2(%arg0: i32) -> (i32, i32) {
    %c0_i32 = arith.constant 0 : i32
    %c0_i32_0 = arith.constant 0 : i32
    return %arg0, %c0_i32 : i32, i32
  }
  func.func @transform_3(%arg0: i32) -> (i32, i32) {
    %c0_i32 = arith.constant 0 : i32
    %c0_i32_0 = arith.constant 0 : i32
    %c0_i32_1 = arith.constant 0 : i32
    return %c0_i32, %c0_i32_0 : i32, i32
  }
  func.func @transform_4(%arg0: i32) -> (i32, i32) {
    %c0_i32 = arith.constant 0 : i32
    %c0_i32_0 = arith.constant 0 : i32
    %c0_i32_1 = arith.constant 0 : i32
    return %c0_i32, %c0_i32_0 : i32, i32
  }
  func.func @transform_5(%arg0: i32) -> (i32, i32) {
    %c0_i32 = arith.constant 0 : i32
    %c0_i32_0 = arith.constant 0 : i32
    %c0_i32_1 = arith.constant 0 : i32
    return %c0_i32, %c0_i32_0 : i32, i32
  }
  func.func @transform_6(%arg0: i32) -> (i32, i32) {
    %c0_i32 = arith.constant 0 : i32
    %c0_i32_0 = arith.constant 0 : i32
    %c0_i32_1 = arith.constant 0 : i32
    return %c0_i32, %c0_i32_0 : i32, i32
  }
  func.func @transform_7(%arg0: i32) -> (i32, i32) {
    %c0_i32 = arith.constant 0 : i32
    %c0_i32_0 = arith.constant 0 : i32
    return %arg0, %c0_i32 : i32, i32
  }
}

module attributes {stable_mosaic.version = 14 : i64} {
  func.func @body(%arg0: i32, %arg1: memref<1000x128xf32, #tpu.memory_space<vmem>>, %arg2: memref<1000x128xf32, #tpu.memory_space<vmem>>, %arg3: memref<1000x128xf32, #tpu.memory_space<vmem>>, %arg4: memref<128x128xf32, #tpu.memory_space<vmem>>, %arg5: memref<1x128xf32, #tpu.memory_space<vmem>>, %arg6: memref<128x128xf32, #tpu.memory_space<vmem>>, %arg7: memref<1x128xf32, #tpu.memory_space<vmem>>, %arg8: memref<1000x128xf32, #tpu.memory_space<vmem>>) attributes {dimension_semantics = [#tpu.dimension_semantics<arbitrary>], iteration_bounds = array<i64: 10>, scalar_prefetch = 0 : i64, scratch_operands = 0 : i64, tpu.core_type = #tpu.core_type<tc>, window_params = [{transform_indices = @transform_0, window_bounds = array<i64: 1000, 128>}, {transform_indices = @transform_1, window_bounds = array<i64: 1000, 128>}, {transform_indices = @transform_2, window_bounds = array<i64: 1000, 128>}, {pipeline_mode = #tpu.pipeline_mode<synchronous>, transform_indices = @transform_3, window_bounds = array<i64: 128, 128>}, {pipeline_mode = #tpu.pipeline_mode<synchronous>, transform_indices = @transform_4, window_bounds = array<i64: 1, 128>}, {pipeline_mode = #tpu.pipeline_mode<synchronous>, transform_indices = @transform_5, window_bounds = array<i64: 128, 128>}, {pipeline_mode = #tpu.pipeline_mode<synchronous>, transform_indices = @transform_6, window_bounds = array<i64: 1, 128>}, {transform_indices = @transform_7, window_bounds = array<i64: 1000, 128>}]} {
    %get3A = arith.constant 0 : index
    %get3A_0 = arith.constant 0 : index
    %get3A_1 = vector.load %arg1[%get3A, %get3A_0] : memref<1000x128xf32, #tpu.memory_space<vmem>>, vector<1000x128xf32>
    %get3A_2 = arith.constant 0 : index
    %get3A_3 = arith.constant 0 : index
    %get3A_4 = vector.load %arg2[%get3A_2, %get3A_3] : memref<1000x128xf32, #tpu.memory_space<vmem>>, vector<1000x128xf32>
    %add3A = arith.addf %get3A_1, %get3A_4 : vector<1000x128xf32>
    %get3A_5 = arith.constant 0 : index
    %get3A_6 = arith.constant 0 : index
    %get3A_7 = vector.load %arg3[%get3A_5, %get3A_6] : memref<1000x128xf32, #tpu.memory_space<vmem>>, vector<1000x128xf32>
    %add3A_8 = arith.addf %add3A, %get3A_7 : vector<1000x128xf32>
    %get3A_9 = arith.constant 0 : index
    %get3A_10 = arith.constant 0 : index
    %get3A_11 = vector.load %arg4[%get3A_9, %get3A_10] : memref<128x128xf32, #tpu.memory_space<vmem>>, vector<128x128xf32>
    %dot_general3A = arith.constant dense<0.000000e+00> : vector<1000x128xf32>
    %dot_general3A_12 = tpu.matmul %add3A_8, %get3A_11, %dot_general3A {dimension_numbers = #tpu.dot_dimension_numbers<[1], [0], [0], [1], [0, 0, 1, 1], [], []>, transpose_lhs_hint = false} : vector<1000x128xf32>, vector<128x128xf32>, vector<1000x128xf32> -> vector<1000x128xf32>
    %get3A_13 = arith.constant 0 : index
    %get3A_14 = arith.constant 0 : index
    %get3A_15 = vector.load %arg5[%get3A_13, %get3A_14] : memref<1x128xf32, #tpu.memory_space<vmem>>, vector<1x128xf32>
    %add3A_16 = vector.broadcast %get3A_15 : vector<1x128xf32> to vector<1000x128xf32>
    %add3A_17 = arith.addf %dot_general3A_12, %add3A_16 : vector<1000x128xf32>
    %max3A = arith.constant 0.000000e+00 : f32
    %max3A_18 = vector.broadcast %max3A : f32 to vector<1000x128xf32>
    %max3A_19 = arith.maximumf %add3A_17, %max3A_18 : vector<1000x128xf32>
    %get3A_20 = arith.constant 0 : index
    %get3A_21 = arith.constant 0 : index
    %get3A_22 = vector.load %arg6[%get3A_20, %get3A_21] : memref<128x128xf32, #tpu.memory_space<vmem>>, vector<128x128xf32>
    %dot_general3A_23 = arith.constant dense<0.000000e+00> : vector<1000x128xf32>
    %dot_general3A_24 = tpu.matmul %max3A_19, %get3A_22, %dot_general3A_23 {dimension_numbers = #tpu.dot_dimension_numbers<[1], [0], [0], [1], [0, 0, 1, 1], [], []>, transpose_lhs_hint = false} : vector<1000x128xf32>, vector<128x128xf32>, vector<1000x128xf32> -> vector<1000x128xf32>
    %get3A_25 = arith.constant 0 : index
    %get3A_26 = arith.constant 0 : index
    %get3A_27 = vector.load %arg7[%get3A_25, %get3A_26] : memref<1x128xf32, #tpu.memory_space<vmem>>, vector<1x128xf32>
    %add3A_28 = vector.broadcast %get3A_27 : vector<1x128xf32> to vector<1000x128xf32>
    %add3A_29 = arith.addf %dot_general3A_24, %add3A_28 : vector<1000x128xf32>
    %max3A_30 = arith.constant 0.000000e+00 : f32
    %max3A_31 = vector.broadcast %max3A_30 : f32 to vector<1000x128xf32>
    %max3A_32 = arith.maximumf %add3A_29, %max3A_31 : vector<1000x128xf32>
    %swap3A = arith.constant 0 : index
    %swap3A_33 = arith.constant 0 : index
    %swap3A_34 = vector.load %arg8[%swap3A, %swap3A_33] : memref<1000x128xf32, #tpu.memory_space<vmem>>, vector<1000x128xf32>
    tpu.vector_store %arg8[%swap3A, %swap3A_33], %max3A_32 {strides = array<i32>} : memref<1000x128xf32, #tpu.memory_space<vmem>>, vector<1000x128xf32>,
    return
  }
  func.func @transform_0(%arg0: i32) -> (i32, i32) {
    %c0_i32 = arith.constant 0 : i32
    %c0_i32_0 = arith.constant 0 : i32
    return %arg0, %c0_i32 : i32, i32
  }
  func.func @transform_1(%arg0: i32) -> (i32, i32) {
    %c0_i32 = arith.constant 0 : i32
    %c0_i32_0 = arith.constant 0 : i32
    return %arg0, %c0_i32 : i32, i32
  }
  func.func @transform_2(%arg0: i32) -> (i32, i32) {
    %c0_i32 = arith.constant 0 : i32
    %c0_i32_0 = arith.constant 0 : i32
    return %arg0, %c0_i32 : i32, i32
  }
  func.func @transform_3(%arg0: i32) -> (i32, i32) {
    %c0_i32 = arith.constant 0 : i32
    %c0_i32_0 = arith.constant 0 : i32
    %c0_i32_1 = arith.constant 0 : i32
    return %c0_i32, %c0_i32_0 : i32, i32
  }
  func.func @transform_4(%arg0: i32) -> (i32, i32) {
    %c0_i32 = arith.constant 0 : i32
    %c0_i32_0 = arith.constant 0 : i32
    %c0_i32_1 = arith.constant 0 : i32
    return %c0_i32, %c0_i32_0 : i32, i32
  }
  func.func @transform_5(%arg0: i32) -> (i32, i32) {
    %c0_i32 = arith.constant 0 : i32
    %c0_i32_0 = arith.constant 0 : i32
    %c0_i32_1 = arith.constant 0 : i32
    return %c0_i32, %c0_i32_0 : i32, i32
  }
  func.func @transform_6(%arg0: i32) -> (i32, i32) {
    %c0_i32 = arith.constant 0 : i32
    %c0_i32_0 = arith.constant 0 : i32
    %c0_i32_1 = arith.constant 0 : i32
    return %c0_i32, %c0_i32_0 : i32, i32
  }
  func.func @transform_7(%arg0: i32) -> (i32, i32) {
    %c0_i32 = arith.constant 0 : i32
    %c0_i32_0 = arith.constant 0 : i32
    return %arg0, %c0_i32 : i32, i32
  }
}

</mosaic_0001>

<sc_bundles>
// kernel: kernel.6.cloned.1.call-start
scs
__scs_entry_jumppad:
0x0: {  	(pc) =	sbr.rel $0x88, $3  }
0x1: {  	(tag) =	ssettag $0x0;
	lr =	simm.s32 $0x1  }
0x2: {  	[smem:$0x3F97] =	sst lr;
	_ =	strace $0xD0000000  }
0x3: {  	_ = 	snop  }
0x4: {  	_ = 	snop  }
0x5: {  	_ = 	snop  }
0x6: {  	_ = 	snop  }
0x7: {  	_ = 	snop  }
__scs_overlays_trampoline_lowered:
0x8: {  	[smem:$0x3FA6] =	sst s0  }
0x9: {  	[smem:$0x3FA7] =	sst s1  }
0xa: {  	[smem:$0x3FA8] =	sst s2  }
0xb: {  	[smem:$0x3FA9] =	sst s3  }
0xc: {  	[smem:$0x3FAA] =	sst s4  }
0xd: {  	[smem:$0x3FAB] =	sst s5  }
0xe: {  	[smem:$0x3FAC] =	sst s6  }
0xf: {  	[smem:$0x3FAD] =	sst s7  }
0x10: {  	[smem:$0x3FAE] =	sst s8  }
0x11: {  	[smem:$0x3FAF] =	sst s9;
	s0 =	simm.s32 @!p0 $0x0  }
0x12: {  	s1 =	sld [smem:$0x3F95];
	s0 =	simm.s32 @p0 $0x1  }
0x13: {  	[smem:$0x3FB0] =	sst s0;
	s0 =	simm.s32 @!p1 $0x0  }
0x14: {  	s2 =	sld [smem:$0x3F94];
	s0 =	simm.s32 @p1 $0x1  }
0x15: {  	[smem:$0x3FB1] =	sst s0;
	s0 =	simm.s32 @!p2 $0x0  }
0x16: {  	s3 =	sld [smem:$0x3FDB];
	s0 =	simm.s32 @p2 $0x1  }
0x17: {  	s4 =	simm.s32 $0x1BF5;
	[smem:$0x3FB3] =	sst s0  }
0x18: {  	s0 =	sld [smem:$0x3F96];
	_ =	swait.ge [sflag:s4], $0x0  }
0x19: {  	s7 =	sld [smem:$0x3F97]  }
0x1a: {  	s8 =	sadd.s32 $0xFFFFE003, lr  }
0x1b: {  	s9 =	sadd.s32 $0xFFFFFEF7, lr;
	s5 =	simm.s32 $0xFFFFFFFF;
	p2 =	slt.u32 s8, $0xFFFFF086  }
0x1c: {  	p1 =	slt.u32 s9, $0xF7A;
	s5 =	simm.s32 @!p2 $0x0  }
0x1d: {  	s5 =	simm.s32 @p1 $0x1;
	p0 =	seq.s32 s7, s2  }
0x1e: {  	s7 =	smul.u32 @!p0 $0xF7A, s2;
	p2 =	seq.s32 @!p0 s5, $0x0  }
0x1f: {  	s9 =	smul.u32 $0xF7A, s1;
	s8 =	simm.s32 @!p0 $0x1BF5;
	p2 =	por !p2, p0  }
0x20: {  	[sflag:s8] =	ssyncset.s32 @!p0 $0xFFFFF086;
	s6 =	sadd.s32 @!p0 s3, s7;
	s7 =	simm.s32 @!p0 $0x108  }
0x21: {  	s3 =	sadd.s32 s3, s9;
	s6 =	sadd.s32 @!p0 $0x88, s6;
	s7 =	simm.s32 @p2 $0x1082  }
0x22: {  	[simem:s7], [sflag:s8] =	dma.local @!p0 [hbm:s6], $0xF7A  }
0x23: {  	s9 =	sor.u32 $0xD0000000, s2;
	s6 =	simm.s32 $0x108;
	_ =	swait.ge @!p0 [sflag:s8], $0x0  }
0x24: {  	s3 =	sadd.s32 $0x88, s3;
	s6 =	simm.s32 @!p1 $0x1082;
	[sflag:s4] =	ssyncset.s32 $0xFFFFF086  }
0x25: {  	[simem:s6], [sflag:s4] =	dma.local [hbm:s3], $0xF7A  }
0x26: {  	[smem:$0x3F97] =	sst s1;
	(tag) =	ssettag s2;
	_ =	strace s9  }
0x27: {  	s1 =	sld [smem:$0x3FA7]  }
0x28: {  	s2 =	sld [smem:$0x3FA8]  }
0x29: {  	s4 =	sld [smem:$0x3FAA]  }
0x2a: {  	p0 =	seq.s32 s5, $0x0;
	s5 =	sld [smem:$0x3FAB]  }
0x2b: {  	s6 =	sld [smem:$0x3FAC]  }
0x2c: {  	s7 =	sld [smem:$0x3FAD]  }
0x2d: {  	s3 =	simm.s32 $0x108;
	s8 =	sld [smem:$0x3FAE]  }
0x2e: {  	s3 =	simm.s32 @!p0 $0x1082;
	s9 =	sld [smem:$0x3FAF]  }
0x2f: {  	lr =	sadd.s32 s0, s3;
	s0 =	sld [smem:$0x3FA6]  }
0x30: {  	s3 =	sld [smem:$0x3FA9]  }
0x31: {  	[smem:$0x3FB2] =	sst s10  }
0x32: {  	s10 =	sld [smem:$0x3FB0];
	_ =	sdelay $0x3  }
0x33: {  	p0 =	seq.s32 s10, $0x1;
	s10 =	sld [smem:$0x3FB2];
	_ =	sdelay $0x3  }
0x34: {  	[smem:$0x3FB2] =	sst s10  }
0x35: {  	s10 =	sld [smem:$0x3FB1];
	_ =	sdelay $0x3  }
0x36: {  	p1 =	seq.s32 s10, $0x1;
	s10 =	sld [smem:$0x3FB2];
	_ =	sdelay $0x3  }
0x37: {  	[smem:$0x3FB2] =	sst s10  }
0x38: {  	s10 =	sld [smem:$0x3FB3]  }
0x39: {  	_ = 	snop;
	(pc) =	sbr.ind lr, $3  }
0x3a: {  	_ = 	snop  }
0x3b: {  	_ = 	snop  }
0x3c: {  	p2 =	seq.s32 s10, $0x1;
	s10 =	sld [smem:$0x3FB2]  }
0x3d: {  	_ =	shalt  }
0x3e: {  	_ =	shalt  }
0x3f: {  	_ =	shalt  }
0x40: {  	_ =	shalt  }
0x41: {  	_ =	shalt  }
0x42: {  	_ =	shalt  }
0x43: {  	_ =	shalt  }
0x44: {  	_ =	shalt  }
0x45: {  	_ =	shalt  }
0x46: {  	_ =	shalt  }
0x47: {  	_ =	shalt  }
0x48: {  	_ =	shalt  }
0x49: {  	_ =	shalt  }
0x4a: {  	_ =	shalt  }
0x4b: {  	_ =	shalt  }
0x4c: {  	_ =	shalt  }
0x4d: {  	_ =	shalt  }
0x4e: {  	_ =	shalt  }
0x4f: {  	_ =	shalt  }
0x50: {  	_ =	shalt  }
0x51: {  	_ =	shalt  }
0x52: {  	_ =	shalt  }
0x53: {  	_ =	shalt  }
0x54: {  	_ =	shalt  }
0x55: {  	_ =	shalt  }
0x56: {  	_ =	shalt  }
0x57: {  	_ =	shalt  }
0x58: {  	_ =	shalt  }
0x59: {  	_ =	shalt  }
0x5a: {  	_ =	shalt  }
0x5b: {  	_ =	shalt  }
0x5c: {  	_ =	shalt  }
0x5d: {  	_ =	shalt  }
0x5e: {  	_ =	shalt  }
0x5f: {  	_ =	shalt  }
0x60: {  	_ =	shalt  }
0x61: {  	_ =	shalt  }
0x62: {  	_ =	shalt  }
0x63: {  	_ =	shalt  }
0x64: {  	_ =	shalt  }
0x65: {  	_ =	shalt  }
0x66: {  	_ =	shalt  }
0x67: {  	_ =	shalt  }
0x68: {  	_ =	shalt  }
0x69: {  	_ =	shalt  }
0x6a: {  	_ =	shalt  }
0x6b: {  	_ =	shalt  }
0x6c: {  	_ =	shalt  }
0x6d: {  	_ =	shalt  }
0x6e: {  	_ =	shalt  }
0x6f: {  	_ =	shalt  }
0x70: {  	_ =	shalt  }
0x71: {  	_ =	shalt  }
0x72: {  	_ =	shalt  }
0x73: {  	_ =	shalt  }
0x74: {  	_ =	shalt  }
0x75: {  	_ =	shalt  }
0x76: {  	_ =	shalt  }
0x77: {  	_ =	shalt  }
0x78: {  	_ =	shalt  }
0x79: {  	_ =	shalt  }
0x7a: {  	_ =	shalt  }
0x7b: {  	_ =	shalt  }
0x7c: {  	_ =	shalt  }
0x7d: {  	_ =	shalt  }
0x7e: {  	_ =	shalt  }
0x7f: {  	_ =	shalt  }
0x80: {  	_ =	shalt  }
0x81: {  	_ =	shalt  }
0x82: {  	_ =	shalt  }
0x83: {  	_ =	shalt  }
0x84: {  	_ =	shalt  }
0x85: {  	_ =	shalt  }
0x86: {  	_ =	shalt  }
0x87: {  	_ =	shalt  }
.Lfunc_end0:
.L_simem_size_0:
called_computation_lowered:
.L_overlay_start_0:
0x88: {  	s2 =	sld [smem:$0x3FD9]  }
0x89: {  	s3 =	sld [smem:$0x3FFE];
	_ =	sdelay $0x1  }
0x8a: {  	s1 =	srdreg.scid  }
0x8b: {  	s0 =	sand.u32 $0x1, s1  }
0x8c: {  	s17 =	sshll.u32 s0, $0xA;
	s2 =	sadd.s32 s3, s2  }
0x8d: {  	s2 =	sadd.s32 s2, s17  }
0x8e: {  	[smem:$0x3FBE] =	sst s2  }
0x8f: {  	_ = 	snop  }
0x90: {  	s2 =	sld [smem:$0x3FC9];
	(tm) =	ssettm $0x1  }
0x91: {  	s18 =	sld [smem:$0x3FFB];
	_ =	sdelay $0x3  }
0x92: {  	_ =	strace s18  }
0x93: {  	s3 =	sld [smem:$0x3FFC];
	_ =	sdelay $0x3  }
0x94: {  	_ =	strace s3  }
0x95: {  	s3 =	sld [smem:$0x3FFD];
	_ =	sdelay $0x3  }
0x96: {  	_ =	strace s3  }
0x97: {  	_ =	strace $0x8FFFFFFF  }
0x98: {  	s19 =	sld [smem:$0x3FDB];
	_ =	sdelay $0x1  }
0x99: {  	s4 =	simm.s32 $_scs_section_size  }
0x9a: {  	s5 =	simm.s32 $_size__tile_overlayer_lowered;
	s6 =	simm.s32 $_tile_overlayer_lowered  }
0x9b: {  	s22 =	simm.s32 $0x1BFF;
	s21 =	sshll.u32 s6, $0x1;
	s3 =	sadd.s32 s4, s19  }
0x9c: {  	s7 =	simm.s32 $0x0;
	s20 =	sshll.u32 s5, $0x1;
	s5 =	sadd.s32 s21, s3  }
0x9d: {  	[timem:s7], [sflag:s22] =	dma.local [hbm:s5], s20  }
0x9e: {  	_ =	swait.ge [sflag:s22], s20  }
0x9f: {  	s4 =	ssub.s32 $0x0, s20;
	[sflag:s22] =	ssyncset.done $0x0  }
0xa0: {  	[sflag:s22] =	ssyncadd.s32 s4;
	_ =	sdelay $0x1  }
0xa1: {  	s23 =	simm.s32 $0x1B8B  }
0xa2: {  	_ =	swait.ge [sflag:s23], $0x1  }
0xa3: {  	[sflag:s23] =	ssyncset.done $0x0  }
0xa4: {  	s25 =	simm.s32 $0x1B8E;
	s24 =	sld [smem:$0x3FFE];
	[sflag:s23] =	ssyncadd.s32 $0xFFFFFFFF  }
0xa5: {  	s26 =	simm.s32 $execute0_lowered;
	[smem:$0x3FD2] =	sst s25  }
0xa6: {  	s5 =	sshll.u32 s26, $0x1;
	_ =	strace $0x80000046;
	[dreg:$0x1] =	wrdreg $0xFFFFFFFF  }
0xa7: {  	s28 =	simm.s32 $_size_execute0_lowered;
	s3 =	sadd.s32 s3, s5;
	[dreg:$0x0] =	wrdreg $0x0  }
0xa8: {  	s5 =	sshll.u32 s28, $0x1;
	[dreg:$0x2] =	wrdreg s3  }
0xa9: {  	[dreg:$0x3] =	wrdreg s5  }
0xaa: {  	[dreg:$0x4] =	wrdreg $0xC0  }
0xab: {  	_ =	task [dreg:s7], $0x5FFFF  }
0xac: {  	[dreg:$0x1] =	wrdreg $0xFFFFFFFF  }
0xad: {  	[dreg:$0x0] =	wrdreg $0x60  }
0xae: {  	[dreg:$0x2] =	wrdreg s2  }
0xaf: {  	[dreg:$0x3] =	wrdreg s24  }
0xb0: {  	[dreg:$0x4] =	wrdreg $0x82000  }
0xb1: {  	[dreg:$0x5] =	wrdreg $0x9  }
0xb2: {  	_ =	task.clear_ibuf [dreg:s7], $0x6FFFF;
	_ =	strace $0x90000046  }
0xb3: {  	s29 =	simm.s32 $0x9;
	_ =	strace $0x80000048  }
0xb4: {  	_ =	swait.ge [sflag:s29], $0x1  }
0xb5: {  	[sflag:s29] =	ssyncadd.s32 $0xFFFFFFFF  }
0xb6: {  	_ =	strace $0x90000048  }
0xb7: {  	_ =	sfence  }
0xb8: {  	s30 =	sld [smem:$0x0];
	_ =	sdelay $0x2  }
0xb9: {  	s31 =	sshll.u32 s1, $0xD;
	s1 =	sshrl.u32 s1, $0x2  }
0xba: {  	s3 =	sand.u32 $0x4000, s31;
	s1 =	sadd.s32 s1, s30  }
0xbb: {  	s0 =	sor.u32 s3, s0;
	s1 =	sshll.u32 s1, $0x11  }
0xbc: {  	s0 =	sor.u32 s1, s0  }
0xbd: {  	s0 =	sadd.s32 $0x8F2B, s0  }
0xbe: {  	[sflag:s0] =	ssyncadd.remote.s32 $0x1  }
0xbf: {  	_ =	sfence.sel $0xFFFF  }
0xc0: {  	[dreg:$0x0] =	wrdreg $0xFFFFFFFF;
	(pc) =	sbr.abs _section_cstart, $3  }
0xc1: {  	[dreg:$0x1] =	wrdreg $0xFFFFFFFF  }
0xc2: {  	_ =	task.clear_ibuf [dreg:s7], $0x2FFFF;
	_ =	strace $0x9FFFFFFF  }
0xc3: {  	(tm) =	ssettm $0x7FFFFFFF  }
tec
execute0_lowered:
.L_overlay_start_1:
0x0: {  	(tag) =	ssettag $0x1  }
0x1: {  	s1 =	rddreg [dreg:$0x0]  }
0x2: {  	s5 =	rddreg [dreg:$0x1]  }
0x3: {  	s3 =	rddreg [dreg:$0x2]  }
0x4: {  	s0 =	rddreg [dreg:$0x3];
	s4 =	simm.s32 $0x0  }
0x5: {  	s2 =	stileid.u32;
	s6 =	srdreg.scid;
	s18 =	simm.s32 $0x100  }
0x6: {  	s19 =	simm.s32 $0x80;
	s20 =	simm.s32 $0x200;
	s21 =	simm.s32 $0x180  }
0x7: {  	[smem:$0x7FF] =	sst s4;
	s24 =	smul.u32 $0x2800, s2;
	s6 =	sand.u32 $0x1, s6  }
0x8: {  	s15 =	sadd.s32 $0xC000, s5;
	s14 =	sadd.s32 $0x2000, s5;
	s9 =	smul.u32 $0x50000, s2  }
0x9: {  	s28 =	sshll.u32 s2, $0x6;
	_ =	strace $0x80000047;
	s11 =	smul.u32 $0x28000, s6  }
0xa: {  	s8 =	sshll.u32 s6, $0x4;
	s22 =	ssub.s32 $0x2, s6;
	s6 =	sor.u32 $0x1C03, s28  }
0xb: {  	s7 =	sadd.s32 s24, s5;
	s23 =	sor.u32 s2, s8;
	s25 =	sshrl.u32 s22, $0x1  }
0xc: {  	s26 =	sshrl.u32 s9, $0x2;
	s12 =	sadd.s32 s11, s5;
	s10 =	smul.u32 $0x2800, s23  }
0xd: {  	s13 =	ssub.s32 s22, s25;
	s16 =	sadd.s32 s26, s3;
	s5 =	sadd.s32 $0x16000, s7  }
0xe: {  	s11 =	sadd.s32 s24, s11;
	s22 =	simm.s32 $0x4200;
	s23 =	simm.s32 $0x1  }
0xf: {  	s26 =	simm.s32 $0x0;
	s25 =	sadd.s32 $0x3E000, s12;
	s30 =	sor.u32 $0x180, s11  }
0x10: {  	s17 =	sor.u32 $0x100, s11;
	s11 =	smax.u32 s13, $0x1;
	s16 =	sshrl.u32 s16, $0x3  }
0x11: {  	s29 =	sshrl.u32 s10, $0x3;
	s31 =	sshrl.u32 s30, $0x3;
	s17 =	sshrl.u32 s17, $0x3  }
0x12: {  	s24 =	sadd.s32 s24, s25;
	s25 =	simm.s32 $0x2;
	s7 =	sadd.s32 s15, s29  }
0x13: {  	s8 =	sadd.s32 s14, s29;
	s10 =	sor.u32 $0x10, s29;
	s12 =	sadd.s32 s31, s14  }
0x14: {  	s13 =	sadd.s32 s31, s15;
	s9 =	sadd.s32 s15, s10;
	s10 =	sadd.s32 s14, s10  }
0x15: {  	s14 =	sadd.s32 s17, s14;
	s15 =	sadd.s32 s17, s15;
	s17 =	simm.s32 $0x3  }
.LBB2_1:
0x16: {  	[spmem:s16], [sflag:s6] =	dma.local [hbm:s5], $0x2800  }
0x17: {  	_ =	swait.ge [sflag:s17], $0x2800  }
0x18: {  	[sflag:s17] =	ssyncset.done $0x0  }
0x19: {  	[sflag:s17] =	ssyncadd.s32 $0xFFFFD800  }
0x1a: {  	[bflag:$0x0] =	sbarrier.arrive $0xFFFF  }
0x1b: {  	[tilespmem:s4], [sflag:$0x3] =	stream.linear.gather [hbm4b:s7+s4], $0x80, $0x38;
	[tilespmem:$0x1C200] =	vst v63  }
0x1c: {  	_ =	swait.ge [sflag:s17], $0x80  }
0x1d: {  	[sflag:s17] =	ssyncset.done $0x0  }
0x1e: {  	[sflag:s17] =	ssyncadd.s32 $0xFFFFFF80  }
0x1f: {  	[tilespmem:s18], [sflag:$0x3] =	stream.linear.gather [hbm4b:s8+s4], $0x80, $0x38;
	[tilespmem:$0x1C200] =	vst v63  }
0x20: {  	_ =	swait.ge [sflag:s17], $0x80  }
0x21: {  	[sflag:s17] =	ssyncset.done $0x0  }
0x22: {  	[sflag:s17] =	ssyncadd.s32 $0xFFFFFF80  }
0x23: {  	[tilespmem:s20], [sflag:$0x1] =	stream.indirect.gather [hbm4b:s1+s19], $0x80, s4, s19, $0xb8;
	[tilespmem:$0x1C200] =	vst v63  }
0x24: {  	_ = 	snop  }
0x25: {  	[tilespmem:s19], [sflag:$0x3] =	stream.linear.gather [hbm4b:s9+s4], $0x80, $0x38;
	[tilespmem:$0x1C200] =	vst v63  }
0x26: {  	_ =	swait.ge [sflag:s17], $0x80  }
0x27: {  	[sflag:s17] =	ssyncset.done $0x0  }
0x28: {  	[sflag:s17] =	ssyncadd.s32 $0xFFFFFF80  }
0x29: {  	[tilespmem:s21], [sflag:$0x3] =	stream.linear.gather [hbm4b:s10+s4], $0x80, $0x38;
	[tilespmem:$0x1C200] =	vst v63  }
0x2a: {  	_ =	swait.ge [sflag:s17], $0x80  }
0x2b: {  	[sflag:s17] =	ssyncset.done $0x0  }
0x2c: {  	[sflag:s17] =	ssyncadd.s32 $0xFFFFFF80  }
0x2d: {  	[tilespmem:s22], [sflag:$0x2] =	stream.indirect.gather [hbm4b:s1+s19], $0x80, s19, s19, $0xb8;
	[tilespmem:$0x1C200] =	vst v63  }
0x2e: {  	_ =	swait.ge [sflag:s23], $0x4000  }
0x2f: {  	[sflag:s23] =	ssyncset.done $0x0  }
0x30: {  	[sflag:s23] =	ssyncadd.s32 $0xFFFFC000  }
0x31: {  	[spmem:s3] =	stream.indirect.scatter.add.f32 [tilespmem:s20], [sflag:$0x3], $0x80, s18, s19, $0xb8;
	[tilespmem:$0x1C200] =	vst v63  }
0x32: {  	_ =	swait.ge [sflag:s17], $0x4000  }
0x33: {  	[sflag:s17] =	ssyncset.done $0x0  }
0x34: {  	s28 =	sadd.s32 $0x0, s15;
	[sflag:s17] =	ssyncadd.s32 $0xFFFFC000  }
0x35: {  	[tilespmem:s4], [sflag:$0x3] =	stream.linear.gather [hbm4b:s28+s4], $0x80, $0x38;
	[tilespmem:$0x1C200] =	vst v63  }
0x36: {  	_ =	swait.ge [sflag:s17], $0x80  }
0x37: {  	[sflag:s17] =	ssyncset.done $0x0  }
0x38: {  	s28 =	sadd.s32 $0x0, s14;
	[sflag:s17] =	ssyncadd.s32 $0xFFFFFF80  }
0x39: {  	[tilespmem:s18], [sflag:$0x3] =	stream.linear.gather [hbm4b:s28+s4], $0x80, $0x38;
	[tilespmem:$0x1C200] =	vst v63  }
0x3a: {  	_ =	swait.ge [sflag:s17], $0x80  }
0x3b: {  	[sflag:s17] =	ssyncset.done $0x0  }
0x3c: {  	[sflag:s17] =	ssyncadd.s32 $0xFFFFFF80  }
0x3d: {  	[tilespmem:s20], [sflag:$0x1] =	stream.indirect.gather [hbm4b:s1+s19], $0x80, s4, s19, $0xb8;
	[tilespmem:$0x1C200] =	vst v63  }
0x3e: {  	_ =	swait.ge [sflag:s25], $0x4000  }
0x3f: {  	[sflag:s25] =	ssyncset.done $0x0  }
0x40: {  	[sflag:s25] =	ssyncadd.s32 $0xFFFFC000  }
0x41: {  	[spmem:s3] =	stream.indirect.scatter.add.f32 [tilespmem:s22], [sflag:$0x3], $0x80, s21, s19, $0xb8;
	[tilespmem:$0x1C200] =	vst v63  }
0x42: {  	_ =	swait.ge [sflag:s17], $0x4000  }
0x43: {  	[sflag:s17] =	ssyncset.done $0x0  }
0x44: {  	s28 =	sadd.s32 $0x0, s13;
	[sflag:s17] =	ssyncadd.s32 $0xFFFFC000  }
0x45: {  	[tilespmem:s19], [sflag:$0x3] =	stream.linear.gather [hbm4b:s28+s4], $0x80, $0x38;
	[tilespmem:$0x1C200] =	vst v63  }
0x46: {  	_ =	swait.ge [sflag:s17], $0x80  }
0x47: {  	[sflag:s17] =	ssyncset.done $0x0  }
0x48: {  	s28 =	sadd.s32 $0x0, s12;
	[sflag:s17] =	ssyncadd.s32 $0xFFFFFF80  }
0x49: {  	[tilespmem:s21], [sflag:$0x3] =	stream.linear.gather [hbm4b:s28+s4], $0x80, $0x38;
	[tilespmem:$0x1C200] =	vst v63  }
0x4a: {  	_ =	swait.ge [sflag:s17], $0x80  }
0x4b: {  	[sflag:s17] =	ssyncset.done $0x0  }
0x4c: {  	s28 =	simm.s32 $0x20;
	[sflag:s17] =	ssyncadd.s32 $0xFFFFFF80  }
.LBB2_2:
0x4d: {  	[tilespmem:s22], [sflag:$0x2] =	stream.indirect.gather [hbm4b:s1+s19], $0x80, s19, s19, $0xb8;
	[tilespmem:$0x1C200] =	vst v63  }
0x4e: {  	s29 =	smov.u32 s28  }
0x4f: {  	p0 =	sne.s32 s28, $0x4C0;
	s28 =	sadd.s32 $0x20, s28;
	_ =	swait.ge [sflag:s23], $0x4000  }
0x50: {  	[sflag:s23] =	ssyncset.done $0x0  }
0x51: {  	[sflag:s23] =	ssyncadd.s32 $0xFFFFC000  }
0x52: {  	[spmem:s3] =	stream.indirect.scatter.add.f32 [tilespmem:s20], [sflag:$0x3], $0x80, s18, s19, $0xb8;
	[tilespmem:$0x1C200] =	vst v63  }
0x53: {  	_ =	swait.ge [sflag:s17], $0x4000  }
0x54: {  	[sflag:s17] =	ssyncset.done $0x0  }
0x55: {  	s30 =	sadd.s32 s29, s15;
	[sflag:s17] =	ssyncadd.s32 $0xFFFFC000  }
0x56: {  	[tilespmem:s4], [sflag:$0x3] =	stream.linear.gather [hbm4b:s30+s4], $0x80, $0x38;
	[tilespmem:$0x1C200] =	vst v63  }
0x57: {  	_ =	swait.ge [sflag:s17], $0x80  }
0x58: {  	[sflag:s17] =	ssyncset.done $0x0  }
0x59: {  	s30 =	sadd.s32 s29, s14;
	[sflag:s17] =	ssyncadd.s32 $0xFFFFFF80  }
0x5a: {  	[tilespmem:s18], [sflag:$0x3] =	stream.linear.gather [hbm4b:s30+s4], $0x80, $0x38;
	[tilespmem:$0x1C200] =	vst v63  }
0x5b: {  	_ =	swait.ge [sflag:s17], $0x80  }
0x5c: {  	[sflag:s17] =	ssyncset.done $0x0  }
0x5d: {  	[sflag:s17] =	ssyncadd.s32 $0xFFFFFF80  }
0x5e: {  	[tilespmem:s20], [sflag:$0x1] =	stream.indirect.gather [hbm4b:s1+s19], $0x80, s4, s19, $0xb8;
	[tilespmem:$0x1C200] =	vst v63  }
0x5f: {  	_ =	swait.ge [sflag:s25], $0x4000  }
0x60: {  	[sflag:s25] =	ssyncset.done $0x0  }
0x61: {  	[sflag:s25] =	ssyncadd.s32 $0xFFFFC000  }
0x62: {  	[spmem:s3] =	stream.indirect.scatter.add.f32 [tilespmem:s22], [sflag:$0x3], $0x80, s21, s19, $0xb8;
	[tilespmem:$0x1C200] =	vst v63  }
0x63: {  	_ =	swait.ge [sflag:s17], $0x4000  }
0x64: {  	[sflag:s17] =	ssyncset.done $0x0  }
0x65: {  	s30 =	sadd.s32 s29, s13;
	[sflag:s17] =	ssyncadd.s32 $0xFFFFC000  }
0x66: {  	[tilespmem:s19], [sflag:$0x3] =	stream.linear.gather [hbm4b:s30+s4], $0x80, $0x38;
	[tilespmem:$0x1C200] =	vst v63  }
0x67: {  	_ =	swait.ge [sflag:s17], $0x80  }
0x68: {  	[sflag:s17] =	ssyncset.done $0x0  }
.Ltmp0:
0x69: {  	s29 =	sadd.s32 s29, s12;
	[sflag:s17] =	ssyncadd.s32 $0xFFFFFF80;
	(pc) =	sbr.rel @p0 .LBB2_2-.Ltmp0, $4  }
0x6a: {  	[tilespmem:s21], [sflag:$0x3] =	stream.linear.gather [hbm4b:s29+s4], $0x80, $0x38;
	[tilespmem:$0x1C200] =	vst v63  }
0x6b: {  	_ =	swait.ge [sflag:s17], $0x80  }
0x6c: {  	[sflag:s17] =	ssyncset.done $0x0  }
0x6d: {  	[sflag:s17] =	ssyncadd.s32 $0xFFFFFF80  }
0x6e: {  	[tilespmem:s22], [sflag:$0x2] =	stream.indirect.gather [hbm4b:s1+s19], $0x80, s19, s19, $0xb8;
	[tilespmem:$0x1C200] =	vst v63  }
0x6f: {  	_ =	swait.ge [sflag:s23], $0x4000  }
0x70: {  	[sflag:s23] =	ssyncset.done $0x0  }
0x71: {  	[sflag:s23] =	ssyncadd.s32 $0xFFFFC000  }
0x72: {  	[spmem:s3] =	stream.indirect.scatter.add.f32 [tilespmem:s20], [sflag:$0x3], $0x80, s18, s19, $0xb8;
	[tilespmem:$0x1C200] =	vst v63  }
0x73: {  	_ =	swait.ge [sflag:s17], $0x4000  }
0x74: {  	[sflag:s17] =	ssyncset.done $0x0  }
0x75: {  	[sflag:s17] =	ssyncadd.s32 $0xFFFFC000  }
0x76: {  	_ =	swait.ge [sflag:s25], $0x4000  }
0x77: {  	[sflag:s25] =	ssyncset.done $0x0  }
0x78: {  	[sflag:s25] =	ssyncadd.s32 $0xFFFFC000  }
0x79: {  	[spmem:s3] =	stream.indirect.scatter.add.f32 [tilespmem:s22], [sflag:$0x3], $0x80, s21, s19, $0xb8;
	[tilespmem:$0x1C200] =	vst v63  }
0x7a: {  	_ =	swait.ge [sflag:s17], $0x4000  }
0x7b: {  	s26 =	sadd.s32 $0x1, s26;
	[sflag:s17] =	ssyncset.done $0x0  }
0x7c: {  	p0 =	sne.s32 s26, s11;
	[sflag:s17] =	ssyncadd.s32 $0xFFFFC000  }
.Ltmp1:
0x7d: {  	[bflag:$0x0] =	sbarrier.arrive $0xFFFF;
	(pc) =	sbr.rel @p0 .LBB2_1-.Ltmp1, $4  }
0x7e: {  	[hbm:s24], [sflag:s6] =	dma.local [spmem:s16], $0x2800  }
0x7f: {  	_ =	swait.ge [sflag:s17], $0x2800  }
0x80: {  	[sflag:s17] =	ssyncset.done $0x0  }
0x81: {  	[sflag:s17] =	ssyncadd.s32 $0xFFFFD800  }
0x82: {  	_ =	sfence.sel $0x180000  }
0x83: {  	[bflag:$0x0] =	sbarrier.arrive $0xFFFF  }
0x84: {  	p0 =	sne.s32 s2, $0x0;
	_ =	strace $0x90000047  }
0x85: {  	s0 =	sadd.s32 @!p0 $0x100000, s0;
	[bflag:$0x2] =	sbarrier.arrive $0xFFFF  }
0x86: {  	[sflag:s0] =	ssyncadd.tile.s32 @!p0 $0x1;
	_ =	shalt  }
.Lfunc_end2:
_tile_overlayer_lowered:
.L_overlay_start_2:
0x87: {  	(tag) =	ssettag $0x2  }
0x88: {  	s0 =	rddreg [dreg:$0x0];
	s2 =	stileid.u32  }
0x89: {  	s1 =	rddreg [dreg:$0x1];
	p0 =	sne.s32 s2, $0x0  }
0x8a: {  	s3 =	rddreg [dreg:$0x2];
	[bflag:$0x3] =	sbarrier.arrive $0xFFFF;
	s2 =	simm.s32 @!p0 $0x1C03  }
0x8b: {  	[timem:s3], [sflag:s2] =	dma.local @!p0 [hbm:s0], s1  }
0x8c: {  	s0 =	simm.s32 @!p0 $0x3  }
0x8d: {  	_ =	swait.ge @!p0 [sflag:s0], s1  }
0x8e: {  	s1 =	ssub.s32 @!p0 $0x0, s1;
	[sflag:s0] =	ssyncset.done @!p0 $0x0  }
0x8f: {  	[sflag:s0] =	ssyncadd.s32 @!p0 s1  }
0x90: {  	[bflag:$0x3] =	sbarrier.arrive $0xFFFF  }
0x91: {  	_ =	shalt  }

// kernel: kernel.9.cloned.1.call-start
scs
__scs_entry_jumppad:
0x0: {  	(pc) =	sbr.rel $0x88, $3  }
0x1: {  	(tag) =	ssettag $0x0;
	lr =	simm.s32 $0x1  }
0x2: {  	[smem:$0x3F97] =	sst lr;
	_ =	strace $0xD0000000  }
0x3: {  	_ = 	snop  }
0x4: {  	_ = 	snop  }
0x5: {  	_ = 	snop  }
0x6: {  	_ = 	snop  }
0x7: {  	_ = 	snop  }
__scs_overlays_trampoline_lowered:
0x8: {  	[smem:$0x3FA6] =	sst s0  }
0x9: {  	[smem:$0x3FA7] =	sst s1  }
0xa: {  	[smem:$0x3FA8] =	sst s2  }
0xb: {  	[smem:$0x3FA9] =	sst s3  }
0xc: {  	[smem:$0x3FAA] =	sst s4  }
0xd: {  	[smem:$0x3FAB] =	sst s5  }
0xe: {  	[smem:$0x3FAC] =	sst s6  }
0xf: {  	[smem:$0x3FAD] =	sst s7  }
0x10: {  	[smem:$0x3FAE] =	sst s8  }
0x11: {  	[smem:$0x3FAF] =	sst s9;
	s0 =	simm.s32 @!p0 $0x0  }
0x12: {  	s1 =	sld [smem:$0x3F95];
	s0 =	simm.s32 @p0 $0x1  }
0x13: {  	[smem:$0x3FB0] =	sst s0;
	s0 =	simm.s32 @!p1 $0x0  }
0x14: {  	s2 =	sld [smem:$0x3F94];
	s0 =	simm.s32 @p1 $0x1  }
0x15: {  	[smem:$0x3FB1] =	sst s0;
	s0 =	simm.s32 @!p2 $0x0  }
0x16: {  	s3 =	sld [smem:$0x3FDB];
	s0 =	simm.s32 @p2 $0x1  }
0x17: {  	s4 =	simm.s32 $0x1BF5;
	[smem:$0x3FB3] =	sst s0  }
0x18: {  	s0 =	sld [smem:$0x3F96];
	_ =	swait.ge [sflag:s4], $0x0  }
0x19: {  	s7 =	sld [smem:$0x3F97]  }
0x1a: {  	s8 =	sadd.s32 $0xFFFFE003, lr  }
0x1b: {  	s9 =	sadd.s32 $0xFFFFFEF7, lr;
	s5 =	simm.s32 $0xFFFFFFFF;
	p2 =	slt.u32 s8, $0xFFFFF086  }
0x1c: {  	p1 =	slt.u32 s9, $0xF7A;
	s5 =	simm.s32 @!p2 $0x0  }
0x1d: {  	s5 =	simm.s32 @p1 $0x1;
	p0 =	seq.s32 s7, s2  }
0x1e: {  	s7 =	smul.u32 @!p0 $0xF7A, s2;
	p2 =	seq.s32 @!p0 s5, $0x0  }
0x1f: {  	s9 =	smul.u32 $0xF7A, s1;
	s8 =	simm.s32 @!p0 $0x1BF5;
	p2 =	por !p2, p0  }
0x20: {  	[sflag:s8] =	ssyncset.s32 @!p0 $0xFFFFF086;
	s6 =	sadd.s32 @!p0 s3, s7;
	s7 =	simm.s32 @!p0 $0x108  }
0x21: {  	s3 =	sadd.s32 s3, s9;
	s6 =	sadd.s32 @!p0 $0x88, s6;
	s7 =	simm.s32 @p2 $0x1082  }
0x22: {  	[simem:s7], [sflag:s8] =	dma.local @!p0 [hbm:s6], $0xF7A  }
0x23: {  	s9 =	sor.u32 $0xD0000000, s2;
	s6 =	simm.s32 $0x108;
	_ =	swait.ge @!p0 [sflag:s8], $0x0  }
0x24: {  	s3 =	sadd.s32 $0x88, s3;
	s6 =	simm.s32 @!p1 $0x1082;
	[sflag:s4] =	ssyncset.s32 $0xFFFFF086  }
0x25: {  	[simem:s6], [sflag:s4] =	dma.local [hbm:s3], $0xF7A  }
0x26: {  	[smem:$0x3F97] =	sst s1;
	(tag) =	ssettag s2;
	_ =	strace s9  }
0x27: {  	s1 =	sld [smem:$0x3FA7]  }
0x28: {  	s2 =	sld [smem:$0x3FA8]  }
0x29: {  	s4 =	sld [smem:$0x3FAA]  }
0x2a: {  	p0 =	seq.s32 s5, $0x0;
	s5 =	sld [smem:$0x3FAB]  }
0x2b: {  	s6 =	sld [smem:$0x3FAC]  }
0x2c: {  	s7 =	sld [smem:$0x3FAD]  }
0x2d: {  	s3 =	simm.s32 $0x108;
	s8 =	sld [smem:$0x3FAE]  }
0x2e: {  	s3 =	simm.s32 @!p0 $0x1082;
	s9 =	sld [smem:$0x3FAF]  }
0x2f: {  	lr =	sadd.s32 s0, s3;
	s0 =	sld [smem:$0x3FA6]  }
0x30: {  	s3 =	sld [smem:$0x3FA9]  }
0x31: {  	[smem:$0x3FB2] =	sst s10  }
0x32: {  	s10 =	sld [smem:$0x3FB0];
	_ =	sdelay $0x3  }
0x33: {  	p0 =	seq.s32 s10, $0x1;
	s10 =	sld [smem:$0x3FB2];
	_ =	sdelay $0x3  }
0x34: {  	[smem:$0x3FB2] =	sst s10  }
0x35: {  	s10 =	sld [smem:$0x3FB1];
	_ =	sdelay $0x3  }
0x36: {  	p1 =	seq.s32 s10, $0x1;
	s10 =	sld [smem:$0x3FB2];
	_ =	sdelay $0x3  }
0x37: {  	[smem:$0x3FB2] =	sst s10  }
0x38: {  	s10 =	sld [smem:$0x3FB3]  }
0x39: {  	_ = 	snop;
	(pc) =	sbr.ind lr, $3  }
0x3a: {  	_ = 	snop  }
0x3b: {  	_ = 	snop  }
0x3c: {  	p2 =	seq.s32 s10, $0x1;
	s10 =	sld [smem:$0x3FB2]  }
0x3d: {  	_ =	shalt  }
0x3e: {  	_ =	shalt  }
0x3f: {  	_ =	shalt  }
0x40: {  	_ =	shalt  }
0x41: {  	_ =	shalt  }
0x42: {  	_ =	shalt  }
0x43: {  	_ =	shalt  }
0x44: {  	_ =	shalt  }
0x45: {  	_ =	shalt  }
0x46: {  	_ =	shalt  }
0x47: {  	_ =	shalt  }
0x48: {  	_ =	shalt  }
0x49: {  	_ =	shalt  }
0x4a: {  	_ =	shalt  }
0x4b: {  	_ =	shalt  }
0x4c: {  	_ =	shalt  }
0x4d: {  	_ =	shalt  }
0x4e: {  	_ =	shalt  }
0x4f: {  	_ =	shalt  }
0x50: {  	_ =	shalt  }
0x51: {  	_ =	shalt  }
0x52: {  	_ =	shalt  }
0x53: {  	_ =	shalt  }
0x54: {  	_ =	shalt  }
0x55: {  	_ =	shalt  }
0x56: {  	_ =	shalt  }
0x57: {  	_ =	shalt  }
0x58: {  	_ =	shalt  }
0x59: {  	_ =	shalt  }
0x5a: {  	_ =	shalt  }
0x5b: {  	_ =	shalt  }
0x5c: {  	_ =	shalt  }
0x5d: {  	_ =	shalt  }
0x5e: {  	_ =	shalt  }
0x5f: {  	_ =	shalt  }
0x60: {  	_ =	shalt  }
0x61: {  	_ =	shalt  }
0x62: {  	_ =	shalt  }
0x63: {  	_ =	shalt  }
0x64: {  	_ =	shalt  }
0x65: {  	_ =	shalt  }
0x66: {  	_ =	shalt  }
0x67: {  	_ =	shalt  }
0x68: {  	_ =	shalt  }
0x69: {  	_ =	shalt  }
0x6a: {  	_ =	shalt  }
0x6b: {  	_ =	shalt  }
0x6c: {  	_ =	shalt  }
0x6d: {  	_ =	shalt  }
0x6e: {  	_ =	shalt  }
0x6f: {  	_ =	shalt  }
0x70: {  	_ =	shalt  }
0x71: {  	_ =	shalt  }
0x72: {  	_ =	shalt  }
0x73: {  	_ =	shalt  }
0x74: {  	_ =	shalt  }
0x75: {  	_ =	shalt  }
0x76: {  	_ =	shalt  }
0x77: {  	_ =	shalt  }
0x78: {  	_ =	shalt  }
0x79: {  	_ =	shalt  }
0x7a: {  	_ =	shalt  }
0x7b: {  	_ =	shalt  }
0x7c: {  	_ =	shalt  }
0x7d: {  	_ =	shalt  }
0x7e: {  	_ =	shalt  }
0x7f: {  	_ =	shalt  }
0x80: {  	_ =	shalt  }
0x81: {  	_ =	shalt  }
0x82: {  	_ =	shalt  }
0x83: {  	_ =	shalt  }
0x84: {  	_ =	shalt  }
0x85: {  	_ =	shalt  }
0x86: {  	_ =	shalt  }
0x87: {  	_ =	shalt  }
.Lfunc_end0:
.L_simem_size_0:
called_computation.1_lowered:
.L_overlay_start_0:
0x88: {  	s2 =	sld [smem:$0x3FD9]  }
0x89: {  	s3 =	sld [smem:$0x3FFE];
	_ =	sdelay $0x1  }
0x8a: {  	s1 =	srdreg.scid  }
0x8b: {  	s0 =	sand.u32 $0x1, s1  }
0x8c: {  	s17 =	sshll.u32 s0, $0xA;
	s2 =	sadd.s32 s3, s2  }
0x8d: {  	s2 =	sadd.s32 s2, s17  }
0x8e: {  	[smem:$0x3FBE] =	sst s2  }
0x8f: {  	_ = 	snop  }
0x90: {  	s2 =	sld [smem:$0x3FD0];
	(tm) =	ssettm $0x1  }
0x91: {  	s18 =	sld [smem:$0x3FFB];
	_ =	sdelay $0x3  }
0x92: {  	_ =	strace s18  }
0x93: {  	s3 =	sld [smem:$0x3FFC];
	_ =	sdelay $0x3  }
0x94: {  	_ =	strace s3  }
0x95: {  	s3 =	sld [smem:$0x3FFD];
	_ =	sdelay $0x3  }
0x96: {  	_ =	strace s3  }
0x97: {  	_ =	strace $0x8FFFFFFF  }
0x98: {  	s19 =	sld [smem:$0x3FDB];
	_ =	sdelay $0x1  }
0x99: {  	s4 =	simm.s32 $_scs_section_size  }
0x9a: {  	s5 =	simm.s32 $_size__tile_overlayer_lowered;
	s6 =	simm.s32 $_tile_overlayer_lowered  }
0x9b: {  	s22 =	simm.s32 $0x1BFF;
	s21 =	sshll.u32 s6, $0x1;
	s3 =	sadd.s32 s4, s19  }
0x9c: {  	s7 =	simm.s32 $0x0;
	s20 =	sshll.u32 s5, $0x1;
	s5 =	sadd.s32 s21, s3  }
0x9d: {  	[timem:s7], [sflag:s22] =	dma.local [hbm:s5], s20  }
0x9e: {  	_ =	swait.ge [sflag:s22], s20  }
0x9f: {  	s4 =	ssub.s32 $0x0, s20;
	[sflag:s22] =	ssyncset.done $0x0  }
0xa0: {  	[sflag:s22] =	ssyncadd.s32 s4;
	_ =	sdelay $0x1  }
0xa1: {  	s23 =	simm.s32 $0x1B8B  }
0xa2: {  	_ =	swait.ge [sflag:s23], $0x1  }
0xa3: {  	[sflag:s23] =	ssyncset.done $0x0  }
0xa4: {  	s25 =	simm.s32 $0x1B8E;
	s24 =	sld [smem:$0x3FFE];
	[sflag:s23] =	ssyncadd.s32 $0xFFFFFFFF  }
0xa5: {  	s26 =	simm.s32 $execute0_lowered;
	[smem:$0x3FD2] =	sst s25  }
0xa6: {  	s5 =	sshll.u32 s26, $0x1;
	_ =	strace $0x80000049;
	[dreg:$0x1] =	wrdreg $0xFFFFFFFF  }
0xa7: {  	s28 =	simm.s32 $_size_execute0_lowered;
	s3 =	sadd.s32 s3, s5;
	[dreg:$0x0] =	wrdreg $0x0  }
0xa8: {  	s5 =	sshll.u32 s28, $0x1;
	[dreg:$0x2] =	wrdreg s3  }
0xa9: {  	[dreg:$0x3] =	wrdreg s5  }
0xaa: {  	[dreg:$0x4] =	wrdreg $0xC0  }
0xab: {  	_ =	task [dreg:s7], $0x5FFFF  }
0xac: {  	[dreg:$0x1] =	wrdreg $0xFFFFFFFF  }
0xad: {  	[dreg:$0x0] =	wrdreg $0x60  }
0xae: {  	[dreg:$0x2] =	wrdreg s2  }
0xaf: {  	[dreg:$0x3] =	wrdreg s24  }
0xb0: {  	[dreg:$0x4] =	wrdreg $0x82000  }
0xb1: {  	[dreg:$0x5] =	wrdreg $0x9  }
0xb2: {  	_ =	task.clear_ibuf [dreg:s7], $0x6FFFF;
	_ =	strace $0x90000049  }
0xb3: {  	s29 =	simm.s32 $0x9;
	_ =	strace $0x8000004B  }
0xb4: {  	_ =	swait.ge [sflag:s29], $0x1  }
0xb5: {  	[sflag:s29] =	ssyncadd.s32 $0xFFFFFFFF  }
0xb6: {  	_ =	strace $0x9000004B  }
0xb7: {  	_ =	sfence  }
0xb8: {  	s30 =	sld [smem:$0x0];
	_ =	sdelay $0x2  }
0xb9: {  	s31 =	sshll.u32 s1, $0xD;
	s1 =	sshrl.u32 s1, $0x2  }
0xba: {  	s3 =	sand.u32 $0x4000, s31;
	s1 =	sadd.s32 s1, s30  }
0xbb: {  	s0 =	sor.u32 s3, s0;
	s1 =	sshll.u32 s1, $0x11  }
0xbc: {  	s0 =	sor.u32 s1, s0  }
0xbd: {  	s0 =	sadd.s32 $0x8F2B, s0  }
0xbe: {  	[sflag:s0] =	ssyncadd.remote.s32 $0x1  }
0xbf: {  	_ =	sfence.sel $0xFFFF  }
0xc0: {  	[dreg:$0x0] =	wrdreg $0xFFFFFFFF;
	(pc) =	sbr.abs _section_cstart, $3  }
0xc1: {  	[dreg:$0x1] =	wrdreg $0xFFFFFFFF  }
0xc2: {  	_ =	task.clear_ibuf [dreg:s7], $0x2FFFF;
	_ =	strace $0x9FFFFFFF  }
0xc3: {  	(tm) =	ssettm $0x7FFFFFFF  }
tec
execute0_lowered:
.L_overlay_start_1:
0x0: {  	(tag) =	ssettag $0x1  }
0x1: {  	s1 =	rddreg [dreg:$0x0]  }
0x2: {  	s5 =	rddreg [dreg:$0x1]  }
0x3: {  	s3 =	rddreg [dreg:$0x2]  }
0x4: {  	s0 =	rddreg [dreg:$0x3];
	s4 =	simm.s32 $0x0  }
0x5: {  	s2 =	stileid.u32;
	s6 =	srdreg.scid;
	s18 =	simm.s32 $0x100  }
0x6: {  	s19 =	simm.s32 $0x80;
	s20 =	simm.s32 $0x200;
	s21 =	simm.s32 $0x180  }
0x7: {  	[smem:$0x7FF] =	sst s4;
	s24 =	smul.u32 $0x2800, s2;
	s6 =	sand.u32 $0x1, s6  }
0x8: {  	s15 =	sadd.s32 $0xC000, s5;
	s14 =	sadd.s32 $0x2000, s5;
	s9 =	smul.u32 $0x50000, s2  }
0x9: {  	s28 =	sshll.u32 s2, $0x6;
	_ =	strace $0x8000004A;
	s11 =	smul.u32 $0x28000, s6  }
0xa: {  	s8 =	sshll.u32 s6, $0x4;
	s22 =	ssub.s32 $0x2, s6;
	s6 =	sor.u32 $0x1C03, s28  }
0xb: {  	s7 =	sadd.s32 s24, s5;
	s23 =	sor.u32 s2, s8;
	s25 =	sshrl.u32 s22, $0x1  }
0xc: {  	s26 =	sshrl.u32 s9, $0x2;
	s12 =	sadd.s32 s11, s5;
	s10 =	smul.u32 $0x2800, s23  }
0xd: {  	s13 =	ssub.s32 s22, s25;
	s16 =	sadd.s32 s26, s3;
	s5 =	sadd.s32 $0x16000, s7  }
0xe: {  	s11 =	sadd.s32 s24, s11;
	s22 =	simm.s32 $0x4200;
	s23 =	simm.s32 $0x1  }
0xf: {  	s26 =	simm.s32 $0x0;
	s25 =	sadd.s32 $0x3E000, s12;
	s30 =	sor.u32 $0x180, s11  }
0x10: {  	s17 =	sor.u32 $0x100, s11;
	s11 =	smax.u32 s13, $0x1;
	s16 =	sshrl.u32 s16, $0x3  }
0x11: {  	s29 =	sshrl.u32 s10, $0x3;
	s31 =	sshrl.u32 s30, $0x3;
	s17 =	sshrl.u32 s17, $0x3  }
0x12: {  	s24 =	sadd.s32 s24, s25;
	s25 =	simm.s32 $0x2;
	s7 =	sadd.s32 s15, s29  }
0x13: {  	s8 =	sadd.s32 s14, s29;
	s10 =	sor.u32 $0x10, s29;
	s12 =	sadd.s32 s31, s14  }
0x14: {  	s13 =	sadd.s32 s31, s15;
	s9 =	sadd.s32 s15, s10;
	s10 =	sadd.s32 s14, s10  }
0x15: {  	s14 =	sadd.s32 s17, s14;
	s15 =	sadd.s32 s17, s15;
	s17 =	simm.s32 $0x3  }
.LBB2_1:
0x16: {  	[spmem:s16], [sflag:s6] =	dma.local [hbm:s5], $0x2800  }
0x17: {  	_ =	swait.ge [sflag:s17], $0x2800  }
0x18: {  	[sflag:s17] =	ssyncset.done $0x0  }
0x19: {  	[sflag:s17] =	ssyncadd.s32 $0xFFFFD800  }
0x1a: {  	[bflag:$0x0] =	sbarrier.arrive $0xFFFF  }
0x1b: {  	[tilespmem:s4], [sflag:$0x3] =	stream.linear.gather [hbm4b:s7+s4], $0x80, $0x38;
	[tilespmem:$0x1C200] =	vst v63  }
0x1c: {  	_ =	swait.ge [sflag:s17], $0x80  }
0x1d: {  	[sflag:s17] =	ssyncset.done $0x0  }
0x1e: {  	[sflag:s17] =	ssyncadd.s32 $0xFFFFFF80  }
0x1f: {  	[tilespmem:s18], [sflag:$0x3] =	stream.linear.gather [hbm4b:s8+s4], $0x80, $0x38;
	[tilespmem:$0x1C200] =	vst v63  }
0x20: {  	_ =	swait.ge [sflag:s17], $0x80  }
0x21: {  	[sflag:s17] =	ssyncset.done $0x0  }
0x22: {  	[sflag:s17] =	ssyncadd.s32 $0xFFFFFF80  }
0x23: {  	[tilespmem:s20], [sflag:$0x1] =	stream.indirect.gather [hbm4b:s1+s19], $0x80, s4, s19, $0xb8;
	[tilespmem:$0x1C200] =	vst v63  }
0x24: {  	_ = 	snop  }
0x25: {  	[tilespmem:s19], [sflag:$0x3] =	stream.linear.gather [hbm4b:s9+s4], $0x80, $0x38;
	[tilespmem:$0x1C200] =	vst v63  }
0x26: {  	_ =	swait.ge [sflag:s17], $0x80  }
0x27: {  	[sflag:s17] =	ssyncset.done $0x0  }
0x28: {  	[sflag:s17] =	ssyncadd.s32 $0xFFFFFF80  }
0x29: {  	[tilespmem:s21], [sflag:$0x3] =	stream.linear.gather [hbm4b:s10+s4], $0x80, $0x38;
	[tilespmem:$0x1C200] =	vst v63  }
0x2a: {  	_ =	swait.ge [sflag:s17], $0x80  }
0x2b: {  	[sflag:s17] =	ssyncset.done $0x0  }
0x2c: {  	[sflag:s17] =	ssyncadd.s32 $0xFFFFFF80  }
0x2d: {  	[tilespmem:s22], [sflag:$0x2] =	stream.indirect.gather [hbm4b:s1+s19], $0x80, s19, s19, $0xb8;
	[tilespmem:$0x1C200] =	vst v63  }
0x2e: {  	_ =	swait.ge [sflag:s23], $0x4000  }
0x2f: {  	[sflag:s23] =	ssyncset.done $0x0  }
0x30: {  	[sflag:s23] =	ssyncadd.s32 $0xFFFFC000  }
0x31: {  	[spmem:s3] =	stream.indirect.scatter.add.f32 [tilespmem:s20], [sflag:$0x3], $0x80, s18, s19, $0xb8;
	[tilespmem:$0x1C200] =	vst v63  }
0x32: {  	_ =	swait.ge [sflag:s17], $0x4000  }
0x33: {  	[sflag:s17] =	ssyncset.done $0x0  }
0x34: {  	s28 =	sadd.s32 $0x0, s15;
	[sflag:s17] =	ssyncadd.s32 $0xFFFFC000  }
0x35: {  	[tilespmem:s4], [sflag:$0x3] =	stream.linear.gather [hbm4b:s28+s4], $0x80, $0x38;
	[tilespmem:$0x1C200] =	vst v63  }
0x36: {  	_ =	swait.ge [sflag:s17], $0x80  }
0x37: {  	[sflag:s17] =	ssyncset.done $0x0  }
0x38: {  	s28 =	sadd.s32 $0x0, s14;
	[sflag:s17] =	ssyncadd.s32 $0xFFFFFF80  }
0x39: {  	[tilespmem:s18], [sflag:$0x3] =	stream.linear.gather [hbm4b:s28+s4], $0x80, $0x38;
	[tilespmem:$0x1C200] =	vst v63  }
0x3a: {  	_ =	swait.ge [sflag:s17], $0x80  }
0x3b: {  	[sflag:s17] =	ssyncset.done $0x0  }
0x3c: {  	[sflag:s17] =	ssyncadd.s32 $0xFFFFFF80  }
0x3d: {  	[tilespmem:s20], [sflag:$0x1] =	stream.indirect.gather [hbm4b:s1+s19], $0x80, s4, s19, $0xb8;
	[tilespmem:$0x1C200] =	vst v63  }
0x3e: {  	_ =	swait.ge [sflag:s25], $0x4000  }
0x3f: {  	[sflag:s25] =	ssyncset.done $0x0  }
0x40: {  	[sflag:s25] =	ssyncadd.s32 $0xFFFFC000  }
0x41: {  	[spmem:s3] =	stream.indirect.scatter.add.f32 [tilespmem:s22], [sflag:$0x3], $0x80, s21, s19, $0xb8;
	[tilespmem:$0x1C200] =	vst v63  }
0x42: {  	_ =	swait.ge [sflag:s17], $0x4000  }
0x43: {  	[sflag:s17] =	ssyncset.done $0x0  }
0x44: {  	s28 =	sadd.s32 $0x0, s13;
	[sflag:s17] =	ssyncadd.s32 $0xFFFFC000  }
0x45: {  	[tilespmem:s19], [sflag:$0x3] =	stream.linear.gather [hbm4b:s28+s4], $0x80, $0x38;
	[tilespmem:$0x1C200] =	vst v63  }
0x46: {  	_ =	swait.ge [sflag:s17], $0x80  }
0x47: {  	[sflag:s17] =	ssyncset.done $0x0  }
0x48: {  	s28 =	sadd.s32 $0x0, s12;
	[sflag:s17] =	ssyncadd.s32 $0xFFFFFF80  }
0x49: {  	[tilespmem:s21], [sflag:$0x3] =	stream.linear.gather [hbm4b:s28+s4], $0x80, $0x38;
	[tilespmem:$0x1C200] =	vst v63  }
0x4a: {  	_ =	swait.ge [sflag:s17], $0x80  }
0x4b: {  	[sflag:s17] =	ssyncset.done $0x0  }
0x4c: {  	s28 =	simm.s32 $0x20;
	[sflag:s17] =	ssyncadd.s32 $0xFFFFFF80  }
.LBB2_2:
0x4d: {  	[tilespmem:s22], [sflag:$0x2] =	stream.indirect.gather [hbm4b:s1+s19], $0x80, s19, s19, $0xb8;
	[tilespmem:$0x1C200] =	vst v63  }
0x4e: {  	s29 =	smov.u32 s28  }
0x4f: {  	p0 =	sne.s32 s28, $0x4C0;
	s28 =	sadd.s32 $0x20, s28;
	_ =	swait.ge [sflag:s23], $0x4000  }
0x50: {  	[sflag:s23] =	ssyncset.done $0x0  }
0x51: {  	[sflag:s23] =	ssyncadd.s32 $0xFFFFC000  }
0x52: {  	[spmem:s3] =	stream.indirect.scatter.add.f32 [tilespmem:s20], [sflag:$0x3], $0x80, s18, s19, $0xb8;
	[tilespmem:$0x1C200] =	vst v63  }
0x53: {  	_ =	swait.ge [sflag:s17], $0x4000  }
0x54: {  	[sflag:s17] =	ssyncset.done $0x0  }
0x55: {  	s30 =	sadd.s32 s29, s15;
	[sflag:s17] =	ssyncadd.s32 $0xFFFFC000  }
0x56: {  	[tilespmem:s4], [sflag:$0x3] =	stream.linear.gather [hbm4b:s30+s4], $0x80, $0x38;
	[tilespmem:$0x1C200] =	vst v63  }
0x57: {  	_ =	swait.ge [sflag:s17], $0x80  }
0x58: {  	[sflag:s17] =	ssyncset.done $0x0  }
0x59: {  	s30 =	sadd.s32 s29, s14;
	[sflag:s17] =	ssyncadd.s32 $0xFFFFFF80  }
0x5a: {  	[tilespmem:s18], [sflag:$0x3] =	stream.linear.gather [hbm4b:s30+s4], $0x80, $0x38;
	[tilespmem:$0x1C200] =	vst v63  }
0x5b: {  	_ =	swait.ge [sflag:s17], $0x80  }
0x5c: {  	[sflag:s17] =	ssyncset.done $0x0  }
0x5d: {  	[sflag:s17] =	ssyncadd.s32 $0xFFFFFF80  }
0x5e: {  	[tilespmem:s20], [sflag:$0x1] =	stream.indirect.gather [hbm4b:s1+s19], $0x80, s4, s19, $0xb8;
	[tilespmem:$0x1C200] =	vst v63  }
0x5f: {  	_ =	swait.ge [sflag:s25], $0x4000  }
0x60: {  	[sflag:s25] =	ssyncset.done $0x0  }
0x61: {  	[sflag:s25] =	ssyncadd.s32 $0xFFFFC000  }
0x62: {  	[spmem:s3] =	stream.indirect.scatter.add.f32 [tilespmem:s22], [sflag:$0x3], $0x80, s21, s19, $0xb8;
	[tilespmem:$0x1C200] =	vst v63  }
0x63: {  	_ =	swait.ge [sflag:s17], $0x4000  }
0x64: {  	[sflag:s17] =	ssyncset.done $0x0  }
0x65: {  	s30 =	sadd.s32 s29, s13;
	[sflag:s17] =	ssyncadd.s32 $0xFFFFC000  }
0x66: {  	[tilespmem:s19], [sflag:$0x3] =	stream.linear.gather [hbm4b:s30+s4], $0x80, $0x38;
	[tilespmem:$0x1C200] =	vst v63  }
0x67: {  	_ =	swait.ge [sflag:s17], $0x80  }
0x68: {  	[sflag:s17] =	ssyncset.done $0x0  }
.Ltmp0:
0x69: {  	s29 =	sadd.s32 s29, s12;
	[sflag:s17] =	ssyncadd.s32 $0xFFFFFF80;
	(pc) =	sbr.rel @p0 .LBB2_2-.Ltmp0, $4  }
0x6a: {  	[tilespmem:s21], [sflag:$0x3] =	stream.linear.gather [hbm4b:s29+s4], $0x80, $0x38;
	[tilespmem:$0x1C200] =	vst v63  }
0x6b: {  	_ =	swait.ge [sflag:s17], $0x80  }
0x6c: {  	[sflag:s17] =	ssyncset.done $0x0  }
0x6d: {  	[sflag:s17] =	ssyncadd.s32 $0xFFFFFF80  }
0x6e: {  	[tilespmem:s22], [sflag:$0x2] =	stream.indirect.gather [hbm4b:s1+s19], $0x80, s19, s19, $0xb8;
	[tilespmem:$0x1C200] =	vst v63  }
0x6f: {  	_ =	swait.ge [sflag:s23], $0x4000  }
0x70: {  	[sflag:s23] =	ssyncset.done $0x0  }
0x71: {  	[sflag:s23] =	ssyncadd.s32 $0xFFFFC000  }
0x72: {  	[spmem:s3] =	stream.indirect.scatter.add.f32 [tilespmem:s20], [sflag:$0x3], $0x80, s18, s19, $0xb8;
	[tilespmem:$0x1C200] =	vst v63  }
0x73: {  	_ =	swait.ge [sflag:s17], $0x4000  }
0x74: {  	[sflag:s17] =	ssyncset.done $0x0  }
0x75: {  	[sflag:s17] =	ssyncadd.s32 $0xFFFFC000  }
0x76: {  	_ =	swait.ge [sflag:s25], $0x4000  }
0x77: {  	[sflag:s25] =	ssyncset.done $0x0  }
0x78: {  	[sflag:s25] =	ssyncadd.s32 $0xFFFFC000  }
0x79: {  	[spmem:s3] =	stream.indirect.scatter.add.f32 [tilespmem:s22], [sflag:$0x3], $0x80, s21, s19, $0xb8;
	[tilespmem:$0x1C200] =	vst v63  }
0x7a: {  	_ =	swait.ge [sflag:s17], $0x4000  }
0x7b: {  	s26 =	sadd.s32 $0x1, s26;
	[sflag:s17] =	ssyncset.done $0x0  }
0x7c: {  	p0 =	sne.s32 s26, s11;
	[sflag:s17] =	ssyncadd.s32 $0xFFFFC000  }
.Ltmp1:
0x7d: {  	[bflag:$0x0] =	sbarrier.arrive $0xFFFF;
	(pc) =	sbr.rel @p0 .LBB2_1-.Ltmp1, $4  }
0x7e: {  	[hbm:s24], [sflag:s6] =	dma.local [spmem:s16], $0x2800  }
0x7f: {  	_ =	swait.ge [sflag:s17], $0x2800  }
0x80: {  	[sflag:s17] =	ssyncset.done $0x0  }
0x81: {  	[sflag:s17] =	ssyncadd.s32 $0xFFFFD800  }
0x82: {  	_ =	sfence.sel $0x180000  }
0x83: {  	[bflag:$0x0] =	sbarrier.arrive $0xFFFF  }
0x84: {  	p0 =	sne.s32 s2, $0x0;
	_ =	strace $0x9000004A  }
0x85: {  	s0 =	sadd.s32 @!p0 $0x100000, s0;
	[bflag:$0x2] =	sbarrier.arrive $0xFFFF  }
0x86: {  	[sflag:s0] =	ssyncadd.tile.s32 @!p0 $0x1;
	_ =	shalt  }
.Lfunc_end2:
_tile_overlayer_lowered:
.L_overlay_start_2:
0x87: {  	(tag) =	ssettag $0x2  }
0x88: {  	s0 =	rddreg [dreg:$0x0];
	s2 =	stileid.u32  }
0x89: {  	s1 =	rddreg [dreg:$0x1];
	p0 =	sne.s32 s2, $0x0  }
0x8a: {  	s3 =	rddreg [dreg:$0x2];
	[bflag:$0x3] =	sbarrier.arrive $0xFFFF;
	s2 =	simm.s32 @!p0 $0x1C03  }
0x8b: {  	[timem:s3], [sflag:s2] =	dma.local @!p0 [hbm:s0], s1  }
0x8c: {  	s0 =	simm.s32 @!p0 $0x3  }
0x8d: {  	_ =	swait.ge @!p0 [sflag:s0], s1  }
0x8e: {  	s1 =	ssub.s32 @!p0 $0x0, s1;
	[sflag:s0] =	ssyncset.done @!p0 $0x0  }
0x8f: {  	[sflag:s0] =	ssyncadd.s32 @!p0 s1  }
0x90: {  	[bflag:$0x3] =	sbarrier.arrive $0xFFFF  }
0x91: {  	_ =	shalt  }

</sc_bundles>
